<compile_context>
chip_gen: v7x
topology: tpu7x:2x2x1
jax: 0.10.2.dev20260603
libtpu: 0.0.44.dev20260713+nightly
codegen_flags: <defaults>
</compile_context>

<pallas_src>
import functools

import jax
import jax.numpy as jnp
from jax import lax
from jax.experimental import pallas as pl
from jax.experimental.pallas import tpu as pltpu
from jax.experimental.pallas import tpu_sc as plsc

NC = 2
NS = 16
NW = NC * NS
CH = 128
RB = 1024


def _make_sc_agg(n_pad, d, n_chunks, with_counts):
  stripe = n_pad // NS
  mesh = plsc.VectorSubcoreMesh(core_axis_name="c", subcore_axis_name="s")

  out_type = [jax.ShapeDtypeStruct((NC, n_pad, d), jnp.float32)]
  scratch = [
      pltpu.VMEM((n_chunks, CH), jnp.int32),
      pltpu.VMEM((n_chunks, CH), jnp.int32),
      pltpu.VMEM((CH, d), jnp.float32),
      pltpu.VMEM_SHARED((n_pad, d), jnp.float32),
      pltpu.SemaphoreType.DMA,
  ]
  if with_counts:
    out_type.append(jax.ShapeDtypeStruct((NC, n_pad), jnp.float32))
    scratch += [
        pltpu.VMEM((CH,), jnp.float32),
        pltpu.VMEM_SHARED((n_pad,), jnp.float32),
    ]

  @functools.partial(pl.kernel, mesh=mesh, out_type=tuple(out_type),
                     scratch_types=scratch)
  def agg(*refs):
    if with_counts:
      (x_hbm, src_hbm, dst_hbm, z2_hbm, z1_hbm, one_hbm,
       s_hbm, c_hbm, src_v, dst_v, rows_v, acc_sh, sem,
       ones_v, cnt_sh) = refs
    else:
      (x_hbm, src_hbm, dst_hbm, z2_hbm,
       s_hbm, src_v, dst_v, rows_v, acc_sh, sem) = refs

    cid = lax.axis_index("c")
    sid = lax.axis_index("s")
    wid = sid * NC + cid
    row0 = sid * stripe

    pltpu.sync_copy(src_hbm.at[wid], src_v)
    pltpu.sync_copy(dst_hbm.at[wid], dst_v)
    pltpu.sync_copy(z2_hbm.at[pl.ds(row0, stripe)],
                    acc_sh.at[pl.ds(row0, stripe)])
    if with_counts:
      pltpu.sync_copy(one_hbm, ones_v)
      pltpu.sync_copy(z1_hbm.at[pl.ds(row0, stripe)],
                      cnt_sh.at[pl.ds(row0, stripe)])
    plsc.subcore_barrier()

    def step(j, carry):
      idx = src_v.at[j]
      pltpu.async_copy(x_hbm.at[idx], rows_v, sem).wait()
      pltpu.sync_copy(rows_v, acc_sh.at[dst_v.at[j]], add=True)
      if with_counts:
        pltpu.sync_copy(ones_v, cnt_sh.at[dst_v.at[j]], add=True)
      return carry

    lax.fori_loop(0, n_chunks, step, 0)
    plsc.subcore_barrier()

    pltpu.sync_copy(acc_sh.at[pl.ds(row0, stripe)],
                    s_hbm.at[cid, pl.ds(row0, stripe)])
    if with_counts:
      pltpu.sync_copy(cnt_sh.at[pl.ds(row0, stripe)],
                      c_hbm.at[cid, pl.ds(row0, stripe)])

  return agg


def _tc1_body(s_ref, c_ref, x_ref, w1l_ref, b1_ref, w1r_ref,
              w2r_ref, b2_ref, h_ref, r_ref):
  c = c_ref[...]
  tot = jnp.maximum(c[:, 0:1] + c[:, 1:2], 1.0)
  mean = (s_ref[0] + s_ref[1]) * (1.0 / tot)
  xw = jnp.dot(x_ref[...], w1r_ref[...], preferred_element_type=jnp.float32)
  mw = jnp.dot(mean, w1l_ref[...], preferred_element_type=jnp.float32)
  h = jnp.maximum(mw + xw + b1_ref[...], 0.0)
  h_ref[...] = h
  r_ref[...] = (
      jnp.dot(h, w2r_ref[...], preferred_element_type=jnp.float32)
      + b2_ref[...])


def _tc2_body(s_ref, c_ref, w2l_ref, r_ref, z_ref):
  c = c_ref[...]
  tot = jnp.maximum(c[:, 0:1] + c[:, 1:2], 1.0)
  mean2 = (s_ref[0] + s_ref[1]) * (1.0 / tot)
  z_ref[...] = (
      jnp.dot(mean2, w2l_ref[...], preferred_element_type=jnp.float32)
      + r_ref[...])


def kernel(x, edge_index, W1l, b1, W1r, W2l, b2, W2r):
  n, d_in = x.shape
  e = edge_index.shape[1]
  d_h = W1l.shape[0]
  d_out = W2l.shape[0]

  n_pad = ((n + RB - 1) // RB) * RB
  n_chunks = -(-e // (NW * CH))
  e_pad = NW * n_chunks * CH

  src = edge_index[0].astype(jnp.int32)
  dst = edge_index[1].astype(jnp.int32)
  pad = e_pad - e
  pad_i = jnp.arange(pad, dtype=jnp.int32)
  src_p = jnp.concatenate([src, pad_i % n])
  dst_p = jnp.concatenate([dst, n + pad_i % (n_pad - n)])
  src3 = src_p.reshape(NW, n_chunks, CH)
  dst3 = dst_p.reshape(NW, n_chunks, CH)

  x_pad = jnp.pad(x.astype(jnp.float32), ((0, n_pad - n), (0, 0)))
  z2 = jnp.zeros((n_pad, d_in), jnp.float32)
  z1 = jnp.zeros((n_pad,), jnp.float32)
  ones = jnp.ones((CH,), jnp.float32)

  agg1 = _make_sc_agg(n_pad, d_in, n_chunks, with_counts=True)
  s1p, cntp = agg1(x_pad, src3, dst3, z2, z1, ones)
  cnt2 = cntp.T

  grid = (n_pad // RB,)
  w1l_t = W1l.T.astype(jnp.float32)
  w1r_t = W1r.T.astype(jnp.float32)
  w2l_t = W2l.T.astype(jnp.float32)
  w2r_t = W2r.T.astype(jnp.float32)
  b1_2 = b1.astype(jnp.float32).reshape(1, d_h)
  b2_2 = b2.astype(jnp.float32).reshape(1, d_out)

  h, r = pl.pallas_call(
      _tc1_body,
      grid=grid,
      in_specs=[
          pl.BlockSpec((NC, RB, d_in), lambda i: (0, i, 0)),
          pl.BlockSpec((RB, NC), lambda i: (i, 0)),
          pl.BlockSpec((RB, d_in), lambda i: (i, 0)),
          pl.BlockSpec((d_in, d_h), lambda i: (0, 0)),
          pl.BlockSpec((1, d_h), lambda i: (0, 0)),
          pl.BlockSpec((d_in, d_h), lambda i: (0, 0)),
          pl.BlockSpec((d_h, d_out), lambda i: (0, 0)),
          pl.BlockSpec((1, d_out), lambda i: (0, 0)),
      ],
      out_specs=[
          pl.BlockSpec((RB, d_h), lambda i: (i, 0)),
          pl.BlockSpec((RB, d_out), lambda i: (i, 0)),
      ],
      out_shape=[
          jax.ShapeDtypeStruct((n_pad, d_h), jnp.float32),
          jax.ShapeDtypeStruct((n_pad, d_out), jnp.float32),
      ],
  )(s1p, cnt2, x_pad, w1l_t, b1_2, w1r_t, w2r_t, b2_2)

  agg2 = _make_sc_agg(n_pad, d_h, n_chunks, with_counts=False)
  (s2p,) = agg2(h, src3, dst3, z2)

  z = pl.pallas_call(
      _tc2_body,
      grid=grid,
      in_specs=[
          pl.BlockSpec((NC, RB, d_h), lambda i: (0, i, 0)),
          pl.BlockSpec((RB, NC), lambda i: (i, 0)),
          pl.BlockSpec((d_h, d_out), lambda i: (0, 0)),
          pl.BlockSpec((RB, d_out), lambda i: (i, 0)),
      ],
      out_specs=pl.BlockSpec((RB, d_out), lambda i: (i, 0)),
      out_shape=jax.ShapeDtypeStruct((n_pad, d_out), jnp.float32),
  )(s2p, cnt2, w2l_t, r)

  return z[:n]

# --- scband reference (transcript-rebuilt; emitter-appended) ---
"""Pipeline reference for scband-net-30107720745841 (READ-ONLY COPY).

The authoritative reference and input builder live on the scoring server;
editing this copy changes nothing except your own understanding.
"""

import jax, jax.numpy as jnp
import numpy as np

N = 10000
E = 320000
D_IN = 128
D_H = 128
D_OUT = 64


def setup_inputs(seed: int = 0) -> dict:
    key = jax.random.key(seed)
    ks = jax.random.split(key, 9)
    x = jax.random.normal(ks[0], (N, D_IN), dtype=jnp.float32)
    edge_index = jax.random.randint(ks[1], (2, E), 0, N)
    s1 = 1.0 / np.sqrt(D_IN)
    s2 = 1.0 / np.sqrt(D_H)
    W1l = jax.random.normal(ks[2], (D_H, D_IN), dtype=jnp.float32) * s1
    b1 = jnp.zeros((D_H,), dtype=jnp.float32)
    W1r = jax.random.normal(ks[3], (D_H, D_IN), dtype=jnp.float32) * s1
    W2l = jax.random.normal(ks[4], (D_OUT, D_H), dtype=jnp.float32) * s2
    b2 = jnp.zeros((D_OUT,), dtype=jnp.float32)
    W2r = jax.random.normal(ks[5], (D_OUT, D_H), dtype=jnp.float32) * s2
    return {"x": x, "edge_index": edge_index, "W1l": W1l, "b1": b1, "W1r": W1r, "W2l": W2l, "b2": b2, "W2r": W2r}


def _sage_conv(x, W_l, b_l, W_r, src, dst, n):
    # PyG SAGEConv (mean aggr): out = lin_l(mean_j x_j) + lin_r(x)
    msg = jnp.take(x, src, axis=0)
    summed = jax.ops.segment_sum(msg, dst, num_segments=n)
    cnt = jax.ops.segment_sum(jnp.ones((src.shape[0],), dtype=x.dtype), dst, num_segments=n)
    mean = summed / jnp.clip(cnt, 1.0)[:, None]
    return mean @ W_l.T + b_l + x @ W_r.T


def reference(x, edge_index, W1l, b1, W1r, W2l, b2, W2r):
    src = edge_index[0]
    dst = edge_index[1]
    n = x.shape[0]
    h = _sage_conv(x.astype(jnp.float32), W1l, b1, W1r, src, dst, n)
    h = jax.nn.relu(h)
    z = _sage_conv(h, W2l, b2, W2r, src, dst, n)
    return z

if __name__ == "__main__":
    import jax
    _d = setup_inputs()
    print(jax.jit(kernel)(*tuple(_d.values())))

</pallas_src>

<mosaic_0001>
#map = affine_map<(d0, d1) -> (0, 0)>
#map1 = affine_map<(d0, d1) -> (0, 0, 0)>
#map2 = affine_map<(d0, d1) -> (0)>
module attributes {stable_mosaic.version = 14 : i64} {
  func.func @agg(%arg0: i32, %arg1: i32, %arg2: memref<10240x128xf32, #tpu.memory_space<hbm>>, %arg3: memref<32x79x128xi32, #tpu.memory_space<hbm>>, %arg4: memref<32x79x128xi32, #tpu.memory_space<hbm>>, %arg5: memref<10240x128xf32, #tpu.memory_space<hbm>>, %arg6: memref<10240xf32, #tpu.memory_space<hbm>>, %arg7: memref<128xf32, #tpu.memory_space<hbm>>, %arg8: memref<2x10240x128xf32, #tpu.memory_space<hbm>>, %arg9: memref<2x10240xf32, #tpu.memory_space<hbm>>, %arg10: memref<79x128xi32, #tpu.memory_space<vmem>>, %arg11: memref<79x128xi32, #tpu.memory_space<vmem>>, %arg12: memref<128x128xf32, #tpu.memory_space<vmem>>, %arg13: memref<10240x128xf32, #tpu.memory_space<vmem_shared>>, %arg14: memref<!tpu.dma_semaphore, #tpu.memory_space<semaphore_mem>>, %arg15: memref<128xf32, #tpu.memory_space<vmem>>, %arg16: memref<10240xf32, #tpu.memory_space<vmem_shared>>) attributes {dimension_semantics = [#tpu.dimension_semantics<core_parallel>, #tpu.dimension_semantics<subcore_parallel>], iteration_bounds = array<i64: 2, 16>, scalar_prefetch = 0 : i64, scratch_operands = 7 : i64, tpu.core_type = #tpu.core_type<sc_vector_subcore>, window_params = [{transform_indices = #map}, {transform_indices = #map1}, {transform_indices = #map1}, {transform_indices = #map}, {transform_indices = #map2}, {transform_indices = #map2}, {transform_indices = #map1}, {transform_indices = #map}]} {
    %mul3A = arith.constant 2 : i32
    %mul3A_0 = arith.muli %arg1, %mul3A : i32
    %add3A = arith.addi %mul3A_0, %arg0 : i32
    %mul3A_1 = arith.constant 640 : i32
    %mul3A_2 = arith.muli %arg1, %mul3A_1 : i32
    "tpu.region"() ({
      %run_scoped3A = tpu.sem_alloc : memref<!tpu.dma_semaphore, #tpu.memory_space<semaphore_mem>>
      %dma_start3A = arith.constant 0 : i32
      %dma_start3A_9 = arith.constant 0 : i32
      %dma_start3A_10 = tpu.memref_slice %arg3[%add3A, %dma_start3A, %dma_start3A_9] : memref<32x79x128xi32, #tpu.memory_space<hbm>> -> memref<1x79x128xi32, #tpu.memory_space<hbm>>
      %dma_start3A_11 = tpu.memref_squeeze %dma_start3A_10 : memref<1x79x128xi32, #tpu.memory_space<hbm>> -> memref<79x128xi32, #tpu.memory_space<hbm>>
      %dma_start3A_12 = arith.constant 0 : i32
      %dma_start3A_13 = arith.constant 0 : i32
      %dma_start3A_14 = tpu.memref_slice %arg3[%add3A, %dma_start3A_12, %dma_start3A_13] : memref<32x79x128xi32, #tpu.memory_space<hbm>> -> memref<1x79x128xi32, #tpu.memory_space<hbm>>
      %dma_start3A_15 = tpu.memref_squeeze %dma_start3A_14 : memref<1x79x128xi32, #tpu.memory_space<hbm>> -> memref<79x128xi32, #tpu.memory_space<hbm>>
      tpu.enqueue_dma source(%dma_start3A_15 : memref<79x128xi32, #tpu.memory_space<hbm>>) target(%arg10 : memref<79x128xi32, #tpu.memory_space<vmem>>) target_semaphore(%run_scoped3A : memref<!tpu.dma_semaphore, #tpu.memory_space<semaphore_mem>>)
      %dma_wait3A = arith.constant 0 : i32
      %dma_wait3A_16 = arith.constant 0 : i32
      %dma_wait3A_17 = tpu.memref_slice %arg3[%add3A, %dma_wait3A, %dma_wait3A_16] : memref<32x79x128xi32, #tpu.memory_space<hbm>> -> memref<1x79x128xi32, #tpu.memory_space<hbm>>
      %dma_wait3A_18 = tpu.memref_squeeze %dma_wait3A_17 : memref<1x79x128xi32, #tpu.memory_space<hbm>> -> memref<79x128xi32, #tpu.memory_space<hbm>>
      %dma_wait3A_19 = arith.constant 0 : i32
      %dma_wait3A_20 = arith.constant 0 : i32
      %dma_wait3A_21 = tpu.memref_slice %arg3[%add3A, %dma_wait3A_19, %dma_wait3A_20] : memref<32x79x128xi32, #tpu.memory_space<hbm>> -> memref<1x79x128xi32, #tpu.memory_space<hbm>>
      %dma_wait3A_22 = tpu.memref_squeeze %dma_wait3A_21 : memref<1x79x128xi32, #tpu.memory_space<hbm>> -> memref<79x128xi32, #tpu.memory_space<hbm>>
      tpu.wait_dma2 semaphore(%run_scoped3A : memref<!tpu.dma_semaphore, #tpu.memory_space<semaphore_mem>>) src(%dma_wait3A_22 : memref<79x128xi32, #tpu.memory_space<hbm>>) dst(%arg10 : memref<79x128xi32, #tpu.memory_space<vmem>>)
      tpu.yield
    }) : () -> ()
    "tpu.region"() ({
      %run_scoped3A = tpu.sem_alloc : memref<!tpu.dma_semaphore, #tpu.memory_space<semaphore_mem>>
      %dma_start3A = arith.constant 0 : i32
      %dma_start3A_9 = arith.constant 0 : i32
      %dma_start3A_10 = tpu.memref_slice %arg4[%add3A, %dma_start3A, %dma_start3A_9] : memref<32x79x128xi32, #tpu.memory_space<hbm>> -> memref<1x79x128xi32, #tpu.memory_space<hbm>>
      %dma_start3A_11 = tpu.memref_squeeze %dma_start3A_10 : memref<1x79x128xi32, #tpu.memory_space<hbm>> -> memref<79x128xi32, #tpu.memory_space<hbm>>
      %dma_start3A_12 = arith.constant 0 : i32
      %dma_start3A_13 = arith.constant 0 : i32
      %dma_start3A_14 = tpu.memref_slice %arg4[%add3A, %dma_start3A_12, %dma_start3A_13] : memref<32x79x128xi32, #tpu.memory_space<hbm>> -> memref<1x79x128xi32, #tpu.memory_space<hbm>>
      %dma_start3A_15 = tpu.memref_squeeze %dma_start3A_14 : memref<1x79x128xi32, #tpu.memory_space<hbm>> -> memref<79x128xi32, #tpu.memory_space<hbm>>
      tpu.enqueue_dma source(%dma_start3A_15 : memref<79x128xi32, #tpu.memory_space<hbm>>) target(%arg11 : memref<79x128xi32, #tpu.memory_space<vmem>>) target_semaphore(%run_scoped3A : memref<!tpu.dma_semaphore, #tpu.memory_space<semaphore_mem>>)
      %dma_wait3A = arith.constant 0 : i32
      %dma_wait3A_16 = arith.constant 0 : i32
      %dma_wait3A_17 = tpu.memref_slice %arg4[%add3A, %dma_wait3A, %dma_wait3A_16] : memref<32x79x128xi32, #tpu.memory_space<hbm>> -> memref<1x79x128xi32, #tpu.memory_space<hbm>>
      %dma_wait3A_18 = tpu.memref_squeeze %dma_wait3A_17 : memref<1x79x128xi32, #tpu.memory_space<hbm>> -> memref<79x128xi32, #tpu.memory_space<hbm>>
      %dma_wait3A_19 = arith.constant 0 : i32
      %dma_wait3A_20 = arith.constant 0 : i32
      %dma_wait3A_21 = tpu.memref_slice %arg4[%add3A, %dma_wait3A_19, %dma_wait3A_20] : memref<32x79x128xi32, #tpu.memory_space<hbm>> -> memref<1x79x128xi32, #tpu.memory_space<hbm>>
      %dma_wait3A_22 = tpu.memref_squeeze %dma_wait3A_21 : memref<1x79x128xi32, #tpu.memory_space<hbm>> -> memref<79x128xi32, #tpu.memory_space<hbm>>
      tpu.wait_dma2 semaphore(%run_scoped3A : memref<!tpu.dma_semaphore, #tpu.memory_space<semaphore_mem>>) src(%dma_wait3A_22 : memref<79x128xi32, #tpu.memory_space<hbm>>) dst(%arg11 : memref<79x128xi32, #tpu.memory_space<vmem>>)
      tpu.yield
    }) : () -> ()
    "tpu.region"() ({
      %run_scoped3A = tpu.sem_alloc : memref<!tpu.dma_semaphore, #tpu.memory_space<semaphore_mem>>
      %dma_start3A = arith.constant 0 : i32
      %dma_start3A_9 = tpu.memref_slice %arg13[%mul3A_2, %dma_start3A] : memref<10240x128xf32, #tpu.memory_space<vmem_shared>> -> memref<640x128xf32, #tpu.memory_space<vmem_shared>>
      %dma_start3A_10 = arith.constant 0 : i32
      %dma_start3A_11 = tpu.memref_slice %arg5[%mul3A_2, %dma_start3A_10] : memref<10240x128xf32, #tpu.memory_space<hbm>> -> memref<640x128xf32, #tpu.memory_space<hbm>>
      tpu.enqueue_dma source(%dma_start3A_11 : memref<640x128xf32, #tpu.memory_space<hbm>>) target(%dma_start3A_9 : memref<640x128xf32, #tpu.memory_space<vmem_shared>>) target_semaphore(%run_scoped3A : memref<!tpu.dma_semaphore, #tpu.memory_space<semaphore_mem>>)
      %dma_wait3A = arith.constant 0 : i32
      %dma_wait3A_12 = tpu.memref_slice %arg13[%mul3A_2, %dma_wait3A] : memref<10240x128xf32, #tpu.memory_space<vmem_shared>> -> memref<640x128xf32, #tpu.memory_space<vmem_shared>>
      %dma_wait3A_13 = arith.constant 0 : i32
      %dma_wait3A_14 = tpu.memref_slice %arg5[%mul3A_2, %dma_wait3A_13] : memref<10240x128xf32, #tpu.memory_space<hbm>> -> memref<640x128xf32, #tpu.memory_space<hbm>>
      tpu.wait_dma2 semaphore(%run_scoped3A : memref<!tpu.dma_semaphore, #tpu.memory_space<semaphore_mem>>) src(%dma_wait3A_14 : memref<640x128xf32, #tpu.memory_space<hbm>>) dst(%dma_wait3A_12 : memref<640x128xf32, #tpu.memory_space<vmem_shared>>)
      tpu.yield
    }) : () -> ()
    "tpu.region"() ({
      %run_scoped3A = tpu.sem_alloc : memref<!tpu.dma_semaphore, #tpu.memory_space<semaphore_mem>>
      tpu.enqueue_dma source(%arg7 : memref<128xf32, #tpu.memory_space<hbm>>) target(%arg15 : memref<128xf32, #tpu.memory_space<vmem>>) target_semaphore(%run_scoped3A : memref<!tpu.dma_semaphore, #tpu.memory_space<semaphore_mem>>)
      tpu.wait_dma2 semaphore(%run_scoped3A : memref<!tpu.dma_semaphore, #tpu.memory_space<semaphore_mem>>) src(%arg7 : memref<128xf32, #tpu.memory_space<hbm>>) dst(%arg15 : memref<128xf32, #tpu.memory_space<vmem>>)
      tpu.yield
    }) : () -> ()
    "tpu.region"() ({
      %run_scoped3A = tpu.sem_alloc : memref<!tpu.dma_semaphore, #tpu.memory_space<semaphore_mem>>
      %dma_start3A = tpu.memref_slice %arg16[%mul3A_2] : memref<10240xf32, #tpu.memory_space<vmem_shared>> -> memref<640xf32, #tpu.memory_space<vmem_shared>>
      %dma_start3A_9 = tpu.memref_slice %arg6[%mul3A_2] : memref<10240xf32, #tpu.memory_space<hbm>> -> memref<640xf32, #tpu.memory_space<hbm>>
      tpu.enqueue_dma source(%dma_start3A_9 : memref<640xf32, #tpu.memory_space<hbm>>) target(%dma_start3A : memref<640xf32, #tpu.memory_space<vmem_shared>>) target_semaphore(%run_scoped3A : memref<!tpu.dma_semaphore, #tpu.memory_space<semaphore_mem>>)
      %dma_wait3A = tpu.memref_slice %arg16[%mul3A_2] : memref<10240xf32, #tpu.memory_space<vmem_shared>> -> memref<640xf32, #tpu.memory_space<vmem_shared>>
      %dma_wait3A_10 = tpu.memref_slice %arg6[%mul3A_2] : memref<10240xf32, #tpu.memory_space<hbm>> -> memref<640xf32, #tpu.memory_space<hbm>>
      tpu.wait_dma2 semaphore(%run_scoped3A : memref<!tpu.dma_semaphore, #tpu.memory_space<semaphore_mem>>) src(%dma_wait3A_10 : memref<640xf32, #tpu.memory_space<hbm>>) dst(%dma_wait3A : memref<640xf32, #tpu.memory_space<vmem_shared>>)
      tpu.yield
    }) : () -> ()
    %barrier3A = arith.constant 0 : index
    tpu.barrier barrier_id(%barrier3A)
    %scan3A = arith.constant 0 : i32
    %scan3A_3 = arith.constant 0 : i32
    %scan3A_4 = arith.constant 79 : i32
    %scan3A_5 = arith.addi %scan3A_3, %scan3A_4 : i32
    %scan3A_6 = arith.constant 1 : i32
    scf.for %scan3A_9 = %scan3A_3 to %scan3A_5 step %scan3A_6  : i32 {
      %dma_start3A = arith.constant 0 : i32
      %dma_start3A_10 = tpu.memref_slice %arg10[%scan3A_9, %dma_start3A] : memref<79x128xi32, #tpu.memory_space<vmem>> -> memref<1x128xi32, #tpu.memory_space<vmem>>
      %dma_start3A_11 = tpu.memref_squeeze %dma_start3A_10 : memref<1x128xi32, #tpu.memory_space<vmem>> -> memref<128xi32, #tpu.memory_space<vmem>>
      %dma_start3A_12 = arith.constant 0 : i32
      %dma_start3A_13 = arith.constant 0 : i32
      %dma_start3A_14 = tpu.memref_slice %arg2[%dma_start3A_12, %dma_start3A_13] : memref<10240x128xf32, #tpu.memory_space<hbm>> -> memref<10240x128xf32, #tpu.memory_space<hbm>>
      tpu.enqueue_indirect_dma source(%dma_start3A_14 : memref<10240x128xf32, #tpu.memory_space<hbm>>) target(%arg12 : memref<128x128xf32, #tpu.memory_space<vmem>>) offsets(%dma_start3A_11 : memref<128xi32, #tpu.memory_space<vmem>>) semaphore(%arg14 : memref<!tpu.dma_semaphore, #tpu.memory_space<semaphore_mem>>)
      %dma_wait3A = arith.constant 0 : i32
      %dma_wait3A_15 = tpu.memref_slice %arg10[%scan3A_9, %dma_wait3A] : memref<79x128xi32, #tpu.memory_space<vmem>> -> memref<1x128xi32, #tpu.memory_space<vmem>>
      %dma_wait3A_16 = tpu.memref_squeeze %dma_wait3A_15 : memref<1x128xi32, #tpu.memory_space<vmem>> -> memref<128xi32, #tpu.memory_space<vmem>>
      %dma_wait3A_17 = arith.constant 0 : i32
      %dma_wait3A_18 = arith.constant 0 : i32
      %dma_wait3A_19 = tpu.memref_slice %arg2[%dma_wait3A_17, %dma_wait3A_18] : memref<10240x128xf32, #tpu.memory_space<hbm>> -> memref<10240x128xf32, #tpu.memory_space<hbm>>
      tpu.wait_indirect_dma semaphore(%arg14 : memref<!tpu.dma_semaphore, #tpu.memory_space<semaphore_mem>>) src(%dma_wait3A_19 : memref<10240x128xf32, #tpu.memory_space<hbm>>) dst(%arg12 : memref<128x128xf32, #tpu.memory_space<vmem>>)
      "tpu.region"() ({
        %run_scoped3A = tpu.sem_alloc : memref<!tpu.dma_semaphore, #tpu.memory_space<semaphore_mem>>
        %dma_start3A_20 = arith.constant 0 : i32
        %dma_start3A_21 = tpu.memref_slice %arg11[%scan3A_9, %dma_start3A_20] : memref<79x128xi32, #tpu.memory_space<vmem>> -> memref<1x128xi32, #tpu.memory_space<vmem>>
        %dma_start3A_22 = tpu.memref_squeeze %dma_start3A_21 : memref<1x128xi32, #tpu.memory_space<vmem>> -> memref<128xi32, #tpu.memory_space<vmem>>
        %dma_start3A_23 = arith.constant 0 : i32
        %dma_start3A_24 = arith.constant 0 : i32
        %dma_start3A_25 = tpu.memref_slice %arg13[%dma_start3A_23, %dma_start3A_24] : memref<10240x128xf32, #tpu.memory_space<vmem_shared>> -> memref<10240x128xf32, #tpu.memory_space<vmem_shared>>
        tpu.enqueue_indirect_dma source(%arg12 : memref<128x128xf32, #tpu.memory_space<vmem>>) target(%dma_start3A_25 : memref<10240x128xf32, #tpu.memory_space<vmem_shared>>) offsets(%dma_start3A_22 : memref<128xi32, #tpu.memory_space<vmem>>) semaphore(%run_scoped3A : memref<!tpu.dma_semaphore, #tpu.memory_space<semaphore_mem>>) {add = true}
        %dma_wait3A_26 = arith.constant 0 : i32
        %dma_wait3A_27 = tpu.memref_slice %arg11[%scan3A_9, %dma_wait3A_26] : memref<79x128xi32, #tpu.memory_space<vmem>> -> memref<1x128xi32, #tpu.memory_space<vmem>>
        %dma_wait3A_28 = tpu.memref_squeeze %dma_wait3A_27 : memref<1x128xi32, #tpu.memory_space<vmem>> -> memref<128xi32, #tpu.memory_space<vmem>>
        %dma_wait3A_29 = arith.constant 0 : i32
        %dma_wait3A_30 = arith.constant 0 : i32
        %dma_wait3A_31 = tpu.memref_slice %arg13[%dma_wait3A_29, %dma_wait3A_30] : memref<10240x128xf32, #tpu.memory_space<vmem_shared>> -> memref<10240x128xf32, #tpu.memory_space<vmem_shared>>
        tpu.wait_indirect_dma semaphore(%run_scoped3A : memref<!tpu.dma_semaphore, #tpu.memory_space<semaphore_mem>>) src(%arg12 : memref<128x128xf32, #tpu.memory_space<vmem>>) dst(%dma_wait3A_31 : memref<10240x128xf32, #tpu.memory_space<vmem_shared>>)
        tpu.yield
      }) : () -> ()
      "tpu.region"() ({
        %run_scoped3A = tpu.sem_alloc : memref<!tpu.dma_semaphore, #tpu.memory_space<semaphore_mem>>
        %dma_start3A_20 = arith.constant 0 : i32
        %dma_start3A_21 = tpu.memref_slice %arg11[%scan3A_9, %dma_start3A_20] : memref<79x128xi32, #tpu.memory_space<vmem>> -> memref<1x128xi32, #tpu.memory_space<vmem>>
        %dma_start3A_22 = tpu.memref_squeeze %dma_start3A_21 : memref<1x128xi32, #tpu.memory_space<vmem>> -> memref<128xi32, #tpu.memory_space<vmem>>
        %dma_start3A_23 = arith.constant 0 : i32
        %dma_start3A_24 = tpu.memref_slice %arg16[%dma_start3A_23] : memref<10240xf32, #tpu.memory_space<vmem_shared>> -> memref<10240xf32, #tpu.memory_space<vmem_shared>>
        tpu.enqueue_indirect_dma source(%arg15 : memref<128xf32, #tpu.memory_space<vmem>>) target(%dma_start3A_24 : memref<10240xf32, #tpu.memory_space<vmem_shared>>) offsets(%dma_start3A_22 : memref<128xi32, #tpu.memory_space<vmem>>) semaphore(%run_scoped3A : memref<!tpu.dma_semaphore, #tpu.memory_space<semaphore_mem>>) {add = true}
        %dma_wait3A_25 = arith.constant 0 : i32
        %dma_wait3A_26 = tpu.memref_slice %arg11[%scan3A_9, %dma_wait3A_25] : memref<79x128xi32, #tpu.memory_space<vmem>> -> memref<1x128xi32, #tpu.memory_space<vmem>>
        %dma_wait3A_27 = tpu.memref_squeeze %dma_wait3A_26 : memref<1x128xi32, #tpu.memory_space<vmem>> -> memref<128xi32, #tpu.memory_space<vmem>>
        %dma_wait3A_28 = arith.constant 0 : i32
        %dma_wait3A_29 = tpu.memref_slice %arg16[%dma_wait3A_28] : memref<10240xf32, #tpu.memory_space<vmem_shared>> -> memref<10240xf32, #tpu.memory_space<vmem_shared>>
        tpu.wait_indirect_dma semaphore(%run_scoped3A : memref<!tpu.dma_semaphore, #tpu.memory_space<semaphore_mem>>) src(%arg15 : memref<128xf32, #tpu.memory_space<vmem>>) dst(%dma_wait3A_29 : memref<10240xf32, #tpu.memory_space<vmem_shared>>)
        tpu.yield
      }) : () -> ()
    }
    %scan3A_7 = arith.constant 79 : i32
    %barrier3A_8 = arith.constant 0 : index
    tpu.barrier barrier_id(%barrier3A_8)
    "tpu.region"() ({
      %run_scoped3A = tpu.sem_alloc : memref<!tpu.dma_semaphore, #tpu.memory_space<semaphore_mem>>
      %dma_start3A = arith.constant 0 : i32
      %dma_start3A_9 = tpu.memref_slice %arg8[%arg0, %mul3A_2, %dma_start3A] : memref<2x10240x128xf32, #tpu.memory_space<hbm>> -> memref<1x640x128xf32, #tpu.memory_space<hbm>>
      %dma_start3A_10 = tpu.memref_squeeze %dma_start3A_9 : memref<1x640x128xf32, #tpu.memory_space<hbm>> -> memref<640x128xf32, #tpu.memory_space<hbm>>
      %dma_start3A_11 = arith.constant 0 : i32
      %dma_start3A_12 = tpu.memref_slice %arg13[%mul3A_2, %dma_start3A_11] : memref<10240x128xf32, #tpu.memory_space<vmem_shared>> -> memref<640x128xf32, #tpu.memory_space<vmem_shared>>
      tpu.enqueue_dma source(%dma_start3A_12 : memref<640x128xf32, #tpu.memory_space<vmem_shared>>) target(%dma_start3A_10 : memref<640x128xf32, #tpu.memory_space<hbm>>) target_semaphore(%run_scoped3A : memref<!tpu.dma_semaphore, #tpu.memory_space<semaphore_mem>>)
      %dma_wait3A = arith.constant 0 : i32
      %dma_wait3A_13 = tpu.memref_slice %arg8[%arg0, %mul3A_2, %dma_wait3A] : memref<2x10240x128xf32, #tpu.memory_space<hbm>> -> memref<1x640x128xf32, #tpu.memory_space<hbm>>
      %dma_wait3A_14 = tpu.memref_squeeze %dma_wait3A_13 : memref<1x640x128xf32, #tpu.memory_space<hbm>> -> memref<640x128xf32, #tpu.memory_space<hbm>>
      %dma_wait3A_15 = arith.constant 0 : i32
      %dma_wait3A_16 = tpu.memref_slice %arg13[%mul3A_2, %dma_wait3A_15] : memref<10240x128xf32, #tpu.memory_space<vmem_shared>> -> memref<640x128xf32, #tpu.memory_space<vmem_shared>>
      tpu.wait_dma2 semaphore(%run_scoped3A : memref<!tpu.dma_semaphore, #tpu.memory_space<semaphore_mem>>) src(%dma_wait3A_16 : memref<640x128xf32, #tpu.memory_space<vmem_shared>>) dst(%dma_wait3A_14 : memref<640x128xf32, #tpu.memory_space<hbm>>)
      tpu.yield
    }) : () -> ()
    "tpu.region"() ({
      %run_scoped3A = tpu.sem_alloc : memref<!tpu.dma_semaphore, #tpu.memory_space<semaphore_mem>>
      %dma_start3A = tpu.memref_slice %arg9[%arg0, %mul3A_2] : memref<2x10240xf32, #tpu.memory_space<hbm>> -> memref<1x640xf32, #tpu.memory_space<hbm>>
      %dma_start3A_9 = tpu.memref_squeeze %dma_start3A : memref<1x640xf32, #tpu.memory_space<hbm>> -> memref<640xf32, #tpu.memory_space<hbm>>
      %dma_start3A_10 = tpu.memref_slice %arg16[%mul3A_2] : memref<10240xf32, #tpu.memory_space<vmem_shared>> -> memref<640xf32, #tpu.memory_space<vmem_shared>>
      tpu.enqueue_dma source(%dma_start3A_10 : memref<640xf32, #tpu.memory_space<vmem_shared>>) target(%dma_start3A_9 : memref<640xf32, #tpu.memory_space<hbm>>) target_semaphore(%run_scoped3A : memref<!tpu.dma_semaphore, #tpu.memory_space<semaphore_mem>>)
      %dma_wait3A = tpu.memref_slice %arg9[%arg0, %mul3A_2] : memref<2x10240xf32, #tpu.memory_space<hbm>> -> memref<1x640xf32, #tpu.memory_space<hbm>>
      %dma_wait3A_11 = tpu.memref_squeeze %dma_wait3A : memref<1x640xf32, #tpu.memory_space<hbm>> -> memref<640xf32, #tpu.memory_space<hbm>>
      %dma_wait3A_12 = tpu.memref_slice %arg16[%mul3A_2] : memref<10240xf32, #tpu.memory_space<vmem_shared>> -> memref<640xf32, #tpu.memory_space<vmem_shared>>
      tpu.wait_dma2 semaphore(%run_scoped3A : memref<!tpu.dma_semaphore, #tpu.memory_space<semaphore_mem>>) src(%dma_wait3A_12 : memref<640xf32, #tpu.memory_space<vmem_shared>>) dst(%dma_wait3A_11 : memref<640xf32, #tpu.memory_space<hbm>>)
      tpu.yield
    }) : () -> ()
    return
  }
}

#map = affine_map<(d0, d1) -> (0, 0)>
#map1 = affine_map<(d0, d1) -> (0, 0, 0)>
module attributes {stable_mosaic.version = 14 : i64} {
  func.func @agg(%arg0: i32, %arg1: i32, %arg2: memref<10240x128xf32, #tpu.memory_space<hbm>>, %arg3: memref<32x79x128xi32, #tpu.memory_space<hbm>>, %arg4: memref<32x79x128xi32, #tpu.memory_space<hbm>>, %arg5: memref<10240x128xf32, #tpu.memory_space<hbm>>, %arg6: memref<2x10240x128xf32, #tpu.memory_space<hbm>>, %arg7: memref<79x128xi32, #tpu.memory_space<vmem>>, %arg8: memref<79x128xi32, #tpu.memory_space<vmem>>, %arg9: memref<128x128xf32, #tpu.memory_space<vmem>>, %arg10: memref<10240x128xf32, #tpu.memory_space<vmem_shared>>, %arg11: memref<!tpu.dma_semaphore, #tpu.memory_space<semaphore_mem>>) attributes {dimension_semantics = [#tpu.dimension_semantics<core_parallel>, #tpu.dimension_semantics<subcore_parallel>], iteration_bounds = array<i64: 2, 16>, scalar_prefetch = 0 : i64, scratch_operands = 5 : i64, tpu.core_type = #tpu.core_type<sc_vector_subcore>, window_params = [{transform_indices = #map}, {transform_indices = #map1}, {transform_indices = #map1}, {transform_indices = #map}, {transform_indices = #map1}]} {
    %mul3A = arith.constant 2 : i32
    %mul3A_0 = arith.muli %arg1, %mul3A : i32
    %add3A = arith.addi %mul3A_0, %arg0 : i32
    %mul3A_1 = arith.constant 640 : i32
    %mul3A_2 = arith.muli %arg1, %mul3A_1 : i32
    "tpu.region"() ({
      %run_scoped3A = tpu.sem_alloc : memref<!tpu.dma_semaphore, #tpu.memory_space<semaphore_mem>>
      %dma_start3A = arith.constant 0 : i32
      %dma_start3A_9 = arith.constant 0 : i32
      %dma_start3A_10 = tpu.memref_slice %arg3[%add3A, %dma_start3A, %dma_start3A_9] : memref<32x79x128xi32, #tpu.memory_space<hbm>> -> memref<1x79x128xi32, #tpu.memory_space<hbm>>
      %dma_start3A_11 = tpu.memref_squeeze %dma_start3A_10 : memref<1x79x128xi32, #tpu.memory_space<hbm>> -> memref<79x128xi32, #tpu.memory_space<hbm>>
      %dma_start3A_12 = arith.constant 0 : i32
      %dma_start3A_13 = arith.constant 0 : i32
      %dma_start3A_14 = tpu.memref_slice %arg3[%add3A, %dma_start3A_12, %dma_start3A_13] : memref<32x79x128xi32, #tpu.memory_space<hbm>> -> memref<1x79x128xi32, #tpu.memory_space<hbm>>
      %dma_start3A_15 = tpu.memref_squeeze %dma_start3A_14 : memref<1x79x128xi32, #tpu.memory_space<hbm>> -> memref<79x128xi32, #tpu.memory_space<hbm>>
      tpu.enqueue_dma source(%dma_start3A_15 : memref<79x128xi32, #tpu.memory_space<hbm>>) target(%arg7 : memref<79x128xi32, #tpu.memory_space<vmem>>) target_semaphore(%run_scoped3A : memref<!tpu.dma_semaphore, #tpu.memory_space<semaphore_mem>>)
      %dma_wait3A = arith.constant 0 : i32
      %dma_wait3A_16 = arith.constant 0 : i32
      %dma_wait3A_17 = tpu.memref_slice %arg3[%add3A, %dma_wait3A, %dma_wait3A_16] : memref<32x79x128xi32, #tpu.memory_space<hbm>> -> memref<1x79x128xi32, #tpu.memory_space<hbm>>
      %dma_wait3A_18 = tpu.memref_squeeze %dma_wait3A_17 : memref<1x79x128xi32, #tpu.memory_space<hbm>> -> memref<79x128xi32, #tpu.memory_space<hbm>>
      %dma_wait3A_19 = arith.constant 0 : i32
      %dma_wait3A_20 = arith.constant 0 : i32
      %dma_wait3A_21 = tpu.memref_slice %arg3[%add3A, %dma_wait3A_19, %dma_wait3A_20] : memref<32x79x128xi32, #tpu.memory_space<hbm>> -> memref<1x79x128xi32, #tpu.memory_space<hbm>>
      %dma_wait3A_22 = tpu.memref_squeeze %dma_wait3A_21 : memref<1x79x128xi32, #tpu.memory_space<hbm>> -> memref<79x128xi32, #tpu.memory_space<hbm>>
      tpu.wait_dma2 semaphore(%run_scoped3A : memref<!tpu.dma_semaphore, #tpu.memory_space<semaphore_mem>>) src(%dma_wait3A_22 : memref<79x128xi32, #tpu.memory_space<hbm>>) dst(%arg7 : memref<79x128xi32, #tpu.memory_space<vmem>>)
      tpu.yield
    }) : () -> ()
    "tpu.region"() ({
      %run_scoped3A = tpu.sem_alloc : memref<!tpu.dma_semaphore, #tpu.memory_space<semaphore_mem>>
      %dma_start3A = arith.constant 0 : i32
      %dma_start3A_9 = arith.constant 0 : i32
      %dma_start3A_10 = tpu.memref_slice %arg4[%add3A, %dma_start3A, %dma_start3A_9] : memref<32x79x128xi32, #tpu.memory_space<hbm>> -> memref<1x79x128xi32, #tpu.memory_space<hbm>>
      %dma_start3A_11 = tpu.memref_squeeze %dma_start3A_10 : memref<1x79x128xi32, #tpu.memory_space<hbm>> -> memref<79x128xi32, #tpu.memory_space<hbm>>
      %dma_start3A_12 = arith.constant 0 : i32
      %dma_start3A_13 = arith.constant 0 : i32
      %dma_start3A_14 = tpu.memref_slice %arg4[%add3A, %dma_start3A_12, %dma_start3A_13] : memref<32x79x128xi32, #tpu.memory_space<hbm>> -> memref<1x79x128xi32, #tpu.memory_space<hbm>>
      %dma_start3A_15 = tpu.memref_squeeze %dma_start3A_14 : memref<1x79x128xi32, #tpu.memory_space<hbm>> -> memref<79x128xi32, #tpu.memory_space<hbm>>
      tpu.enqueue_dma source(%dma_start3A_15 : memref<79x128xi32, #tpu.memory_space<hbm>>) target(%arg8 : memref<79x128xi32, #tpu.memory_space<vmem>>) target_semaphore(%run_scoped3A : memref<!tpu.dma_semaphore, #tpu.memory_space<semaphore_mem>>)
      %dma_wait3A = arith.constant 0 : i32
      %dma_wait3A_16 = arith.constant 0 : i32
      %dma_wait3A_17 = tpu.memref_slice %arg4[%add3A, %dma_wait3A, %dma_wait3A_16] : memref<32x79x128xi32, #tpu.memory_space<hbm>> -> memref<1x79x128xi32, #tpu.memory_space<hbm>>
      %dma_wait3A_18 = tpu.memref_squeeze %dma_wait3A_17 : memref<1x79x128xi32, #tpu.memory_space<hbm>> -> memref<79x128xi32, #tpu.memory_space<hbm>>
      %dma_wait3A_19 = arith.constant 0 : i32
      %dma_wait3A_20 = arith.constant 0 : i32
      %dma_wait3A_21 = tpu.memref_slice %arg4[%add3A, %dma_wait3A_19, %dma_wait3A_20] : memref<32x79x128xi32, #tpu.memory_space<hbm>> -> memref<1x79x128xi32, #tpu.memory_space<hbm>>
      %dma_wait3A_22 = tpu.memref_squeeze %dma_wait3A_21 : memref<1x79x128xi32, #tpu.memory_space<hbm>> -> memref<79x128xi32, #tpu.memory_space<hbm>>
      tpu.wait_dma2 semaphore(%run_scoped3A : memref<!tpu.dma_semaphore, #tpu.memory_space<semaphore_mem>>) src(%dma_wait3A_22 : memref<79x128xi32, #tpu.memory_space<hbm>>) dst(%arg8 : memref<79x128xi32, #tpu.memory_space<vmem>>)
      tpu.yield
    }) : () -> ()
    "tpu.region"() ({
      %run_scoped3A = tpu.sem_alloc : memref<!tpu.dma_semaphore, #tpu.memory_space<semaphore_mem>>
      %dma_start3A = arith.constant 0 : i32
      %dma_start3A_9 = tpu.memref_slice %arg10[%mul3A_2, %dma_start3A] : memref<10240x128xf32, #tpu.memory_space<vmem_shared>> -> memref<640x128xf32, #tpu.memory_space<vmem_shared>>
      %dma_start3A_10 = arith.constant 0 : i32
      %dma_start3A_11 = tpu.memref_slice %arg5[%mul3A_2, %dma_start3A_10] : memref<10240x128xf32, #tpu.memory_space<hbm>> -> memref<640x128xf32, #tpu.memory_space<hbm>>
      tpu.enqueue_dma source(%dma_start3A_11 : memref<640x128xf32, #tpu.memory_space<hbm>>) target(%dma_start3A_9 : memref<640x128xf32, #tpu.memory_space<vmem_shared>>) target_semaphore(%run_scoped3A : memref<!tpu.dma_semaphore, #tpu.memory_space<semaphore_mem>>)
      %dma_wait3A = arith.constant 0 : i32
      %dma_wait3A_12 = tpu.memref_slice %arg10[%mul3A_2, %dma_wait3A] : memref<10240x128xf32, #tpu.memory_space<vmem_shared>> -> memref<640x128xf32, #tpu.memory_space<vmem_shared>>
      %dma_wait3A_13 = arith.constant 0 : i32
      %dma_wait3A_14 = tpu.memref_slice %arg5[%mul3A_2, %dma_wait3A_13] : memref<10240x128xf32, #tpu.memory_space<hbm>> -> memref<640x128xf32, #tpu.memory_space<hbm>>
      tpu.wait_dma2 semaphore(%run_scoped3A : memref<!tpu.dma_semaphore, #tpu.memory_space<semaphore_mem>>) src(%dma_wait3A_14 : memref<640x128xf32, #tpu.memory_space<hbm>>) dst(%dma_wait3A_12 : memref<640x128xf32, #tpu.memory_space<vmem_shared>>)
      tpu.yield
    }) : () -> ()
    %barrier3A = arith.constant 0 : index
    tpu.barrier barrier_id(%barrier3A)
    %scan3A = arith.constant 0 : i32
    %scan3A_3 = arith.constant 0 : i32
    %scan3A_4 = arith.constant 79 : i32
    %scan3A_5 = arith.addi %scan3A_3, %scan3A_4 : i32
    %scan3A_6 = arith.constant 1 : i32
    scf.for %scan3A_9 = %scan3A_3 to %scan3A_5 step %scan3A_6  : i32 {
      %dma_start3A = arith.constant 0 : i32
      %dma_start3A_10 = tpu.memref_slice %arg7[%scan3A_9, %dma_start3A] : memref<79x128xi32, #tpu.memory_space<vmem>> -> memref<1x128xi32, #tpu.memory_space<vmem>>
      %dma_start3A_11 = tpu.memref_squeeze %dma_start3A_10 : memref<1x128xi32, #tpu.memory_space<vmem>> -> memref<128xi32, #tpu.memory_space<vmem>>
      %dma_start3A_12 = arith.constant 0 : i32
      %dma_start3A_13 = arith.constant 0 : i32
      %dma_start3A_14 = tpu.memref_slice %arg2[%dma_start3A_12, %dma_start3A_13] : memref<10240x128xf32, #tpu.memory_space<hbm>> -> memref<10240x128xf32, #tpu.memory_space<hbm>>
      tpu.enqueue_indirect_dma source(%dma_start3A_14 : memref<10240x128xf32, #tpu.memory_space<hbm>>) target(%arg9 : memref<128x128xf32, #tpu.memory_space<vmem>>) offsets(%dma_start3A_11 : memref<128xi32, #tpu.memory_space<vmem>>) semaphore(%arg11 : memref<!tpu.dma_semaphore, #tpu.memory_space<semaphore_mem>>)
      %dma_wait3A = arith.constant 0 : i32
      %dma_wait3A_15 = tpu.memref_slice %arg7[%scan3A_9, %dma_wait3A] : memref<79x128xi32, #tpu.memory_space<vmem>> -> memref<1x128xi32, #tpu.memory_space<vmem>>
      %dma_wait3A_16 = tpu.memref_squeeze %dma_wait3A_15 : memref<1x128xi32, #tpu.memory_space<vmem>> -> memref<128xi32, #tpu.memory_space<vmem>>
      %dma_wait3A_17 = arith.constant 0 : i32
      %dma_wait3A_18 = arith.constant 0 : i32
      %dma_wait3A_19 = tpu.memref_slice %arg2[%dma_wait3A_17, %dma_wait3A_18] : memref<10240x128xf32, #tpu.memory_space<hbm>> -> memref<10240x128xf32, #tpu.memory_space<hbm>>
      tpu.wait_indirect_dma semaphore(%arg11 : memref<!tpu.dma_semaphore, #tpu.memory_space<semaphore_mem>>) src(%dma_wait3A_19 : memref<10240x128xf32, #tpu.memory_space<hbm>>) dst(%arg9 : memref<128x128xf32, #tpu.memory_space<vmem>>)
      "tpu.region"() ({
        %run_scoped3A = tpu.sem_alloc : memref<!tpu.dma_semaphore, #tpu.memory_space<semaphore_mem>>
        %dma_start3A_20 = arith.constant 0 : i32
        %dma_start3A_21 = tpu.memref_slice %arg8[%scan3A_9, %dma_start3A_20] : memref<79x128xi32, #tpu.memory_space<vmem>> -> memref<1x128xi32, #tpu.memory_space<vmem>>
        %dma_start3A_22 = tpu.memref_squeeze %dma_start3A_21 : memref<1x128xi32, #tpu.memory_space<vmem>> -> memref<128xi32, #tpu.memory_space<vmem>>
        %dma_start3A_23 = arith.constant 0 : i32
        %dma_start3A_24 = arith.constant 0 : i32
        %dma_start3A_25 = tpu.memref_slice %arg10[%dma_start3A_23, %dma_start3A_24] : memref<10240x128xf32, #tpu.memory_space<vmem_shared>> -> memref<10240x128xf32, #tpu.memory_space<vmem_shared>>
        tpu.enqueue_indirect_dma source(%arg9 : memref<128x128xf32, #tpu.memory_space<vmem>>) target(%dma_start3A_25 : memref<10240x128xf32, #tpu.memory_space<vmem_shared>>) offsets(%dma_start3A_22 : memref<128xi32, #tpu.memory_space<vmem>>) semaphore(%run_scoped3A : memref<!tpu.dma_semaphore, #tpu.memory_space<semaphore_mem>>) {add = true}
        %dma_wait3A_26 = arith.constant 0 : i32
        %dma_wait3A_27 = tpu.memref_slice %arg8[%scan3A_9, %dma_wait3A_26] : memref<79x128xi32, #tpu.memory_space<vmem>> -> memref<1x128xi32, #tpu.memory_space<vmem>>
        %dma_wait3A_28 = tpu.memref_squeeze %dma_wait3A_27 : memref<1x128xi32, #tpu.memory_space<vmem>> -> memref<128xi32, #tpu.memory_space<vmem>>
        %dma_wait3A_29 = arith.constant 0 : i32
        %dma_wait3A_30 = arith.constant 0 : i32
        %dma_wait3A_31 = tpu.memref_slice %arg10[%dma_wait3A_29, %dma_wait3A_30] : memref<10240x128xf32, #tpu.memory_space<vmem_shared>> -> memref<10240x128xf32, #tpu.memory_space<vmem_shared>>
        tpu.wait_indirect_dma semaphore(%run_scoped3A : memref<!tpu.dma_semaphore, #tpu.memory_space<semaphore_mem>>) src(%arg9 : memref<128x128xf32, #tpu.memory_space<vmem>>) dst(%dma_wait3A_31 : memref<10240x128xf32, #tpu.memory_space<vmem_shared>>)
        tpu.yield
      }) : () -> ()
    }
    %scan3A_7 = arith.constant 79 : i32
    %barrier3A_8 = arith.constant 0 : index
    tpu.barrier barrier_id(%barrier3A_8)
    "tpu.region"() ({
      %run_scoped3A = tpu.sem_alloc : memref<!tpu.dma_semaphore, #tpu.memory_space<semaphore_mem>>
      %dma_start3A = arith.constant 0 : i32
      %dma_start3A_9 = tpu.memref_slice %arg6[%arg0, %mul3A_2, %dma_start3A] : memref<2x10240x128xf32, #tpu.memory_space<hbm>> -> memref<1x640x128xf32, #tpu.memory_space<hbm>>
      %dma_start3A_10 = tpu.memref_squeeze %dma_start3A_9 : memref<1x640x128xf32, #tpu.memory_space<hbm>> -> memref<640x128xf32, #tpu.memory_space<hbm>>
      %dma_start3A_11 = arith.constant 0 : i32
      %dma_start3A_12 = tpu.memref_slice %arg10[%mul3A_2, %dma_start3A_11] : memref<10240x128xf32, #tpu.memory_space<vmem_shared>> -> memref<640x128xf32, #tpu.memory_space<vmem_shared>>
      tpu.enqueue_dma source(%dma_start3A_12 : memref<640x128xf32, #tpu.memory_space<vmem_shared>>) target(%dma_start3A_10 : memref<640x128xf32, #tpu.memory_space<hbm>>) target_semaphore(%run_scoped3A : memref<!tpu.dma_semaphore, #tpu.memory_space<semaphore_mem>>)
      %dma_wait3A = arith.constant 0 : i32
      %dma_wait3A_13 = tpu.memref_slice %arg6[%arg0, %mul3A_2, %dma_wait3A] : memref<2x10240x128xf32, #tpu.memory_space<hbm>> -> memref<1x640x128xf32, #tpu.memory_space<hbm>>
      %dma_wait3A_14 = tpu.memref_squeeze %dma_wait3A_13 : memref<1x640x128xf32, #tpu.memory_space<hbm>> -> memref<640x128xf32, #tpu.memory_space<hbm>>
      %dma_wait3A_15 = arith.constant 0 : i32
      %dma_wait3A_16 = tpu.memref_slice %arg10[%mul3A_2, %dma_wait3A_15] : memref<10240x128xf32, #tpu.memory_space<vmem_shared>> -> memref<640x128xf32, #tpu.memory_space<vmem_shared>>
      tpu.wait_dma2 semaphore(%run_scoped3A : memref<!tpu.dma_semaphore, #tpu.memory_space<semaphore_mem>>) src(%dma_wait3A_16 : memref<640x128xf32, #tpu.memory_space<vmem_shared>>) dst(%dma_wait3A_14 : memref<640x128xf32, #tpu.memory_space<hbm>>)
      tpu.yield
    }) : () -> ()
    return
  }
}

module attributes {stable_mosaic.version = 14 : i64} {
  func.func @_tc1_body(%arg0: i32, %arg1: memref<2x1024x128xf32, #tpu.memory_space<vmem>>, %arg2: memref<1024x2xf32, #tpu.memory_space<vmem>>, %arg3: memref<1024x128xf32, #tpu.memory_space<vmem>>, %arg4: memref<128x128xf32, #tpu.memory_space<vmem>>, %arg5: memref<1x128xf32, #tpu.memory_space<vmem>>, %arg6: memref<128x128xf32, #tpu.memory_space<vmem>>, %arg7: memref<128x64xf32, #tpu.memory_space<vmem>>, %arg8: memref<1x64xf32, #tpu.memory_space<vmem>>, %arg9: memref<1024x128xf32, #tpu.memory_space<vmem>>, %arg10: memref<1024x64xf32, #tpu.memory_space<vmem>>) attributes {dimension_semantics = [#tpu.dimension_semantics<arbitrary>], iteration_bounds = array<i64: 10>, scalar_prefetch = 0 : i64, scratch_operands = 0 : i64, tpu.core_type = #tpu.core_type<tc>, window_params = [{transform_indices = @transform_0, window_bounds = array<i64: 2, 1024, 128>}, {transform_indices = @transform_1, window_bounds = array<i64: 1024, 2>}, {transform_indices = @transform_2, window_bounds = array<i64: 1024, 128>}, {pipeline_mode = #tpu.pipeline_mode<synchronous>, transform_indices = @transform_3, window_bounds = array<i64: 128, 128>}, {pipeline_mode = #tpu.pipeline_mode<synchronous>, transform_indices = @transform_4, window_bounds = array<i64: 1, 128>}, {pipeline_mode = #tpu.pipeline_mode<synchronous>, transform_indices = @transform_5, window_bounds = array<i64: 128, 128>}, {pipeline_mode = #tpu.pipeline_mode<synchronous>, transform_indices = @transform_6, window_bounds = array<i64: 128, 64>}, {pipeline_mode = #tpu.pipeline_mode<synchronous>, transform_indices = @transform_7, window_bounds = array<i64: 1, 64>}, {transform_indices = @transform_8, window_bounds = array<i64: 1024, 128>}, {transform_indices = @transform_9, window_bounds = array<i64: 1024, 64>}]} {
    %get3A = arith.constant 0 : index
    %get3A_0 = arith.constant 0 : index
    %get3A_1 = vector.load %arg2[%get3A, %get3A_0] : memref<1024x2xf32, #tpu.memory_space<vmem>>, vector<1024x2xf32>
    %slice3A = vector.extract_strided_slice %get3A_1 {offsets = [0, 0], sizes = [1024, 1], strides = [1, 1]} : vector<1024x2xf32> to vector<1024x1xf32>
    %slice3A_2 = vector.extract_strided_slice %get3A_1 {offsets = [0, 1], sizes = [1024, 1], strides = [1, 1]} : vector<1024x2xf32> to vector<1024x1xf32>
    %add3A = arith.addf %slice3A, %slice3A_2 : vector<1024x1xf32>
    %max3A = arith.constant 1.000000e+00 : f32
    %max3A_3 = vector.broadcast %max3A : f32 to vector<1024x1xf32>
    %max3A_4 = arith.maximumf %add3A, %max3A_3 : vector<1024x1xf32>
    %get3A_5 = arith.constant 0 : index
    %get3A_6 = arith.constant 0 : index
    %get3A_7 = arith.constant 0 : index
    %get3A_8 = vector.load %arg1[%get3A_5, %get3A_6, %get3A_7] : memref<2x1024x128xf32, #tpu.memory_space<vmem>>, vector<1x1024x128xf32>
    %get3A_9 = vector.shape_cast %get3A_8 : vector<1x1024x128xf32> to vector<1024x128xf32>
    %get3A_10 = arith.constant 1 : index
    %get3A_11 = arith.constant 0 : index
    %get3A_12 = arith.constant 0 : index
    %get3A_13 = vector.load %arg1[%get3A_10, %get3A_11, %get3A_12] : memref<2x1024x128xf32, #tpu.memory_space<vmem>>, vector<1x1024x128xf32>
    %get3A_14 = vector.shape_cast %get3A_13 : vector<1x1024x128xf32> to vector<1024x128xf32>
    %add3A_15 = arith.addf %get3A_9, %get3A_14 : vector<1024x128xf32>
    %div3A = arith.constant 1.000000e+00 : f32
    %div3A_16 = vector.broadcast %div3A : f32 to vector<1024x1xf32>
    %div3A_17 = arith.divf %div3A_16, %max3A_4 : vector<1024x1xf32>
    %mul3A = vector.broadcast %div3A_17 : vector<1024x1xf32> to vector<1024x128xf32>
    %mul3A_18 = arith.mulf %add3A_15, %mul3A : vector<1024x128xf32>
    %get3A_19 = arith.constant 0 : index
    %get3A_20 = arith.constant 0 : index
    %get3A_21 = vector.load %arg3[%get3A_19, %get3A_20] : memref<1024x128xf32, #tpu.memory_space<vmem>>, vector<1024x128xf32>
    %get3A_22 = arith.constant 0 : index
    %get3A_23 = arith.constant 0 : index
    %get3A_24 = vector.load %arg6[%get3A_22, %get3A_23] : memref<128x128xf32, #tpu.memory_space<vmem>>, vector<128x128xf32>
    %dot_general3A = arith.constant dense<0.000000e+00> : vector<1024x128xf32>
    %dot_general3A_25 = tpu.matmul %get3A_21, %get3A_24, %dot_general3A {dimension_numbers = #tpu.dot_dimension_numbers<[1], [0], [0], [1], [0, 0, 1, 1], [], []>, transpose_lhs_hint = false} : vector<1024x128xf32>, vector<128x128xf32>, vector<1024x128xf32> -> vector<1024x128xf32>
    %get3A_26 = arith.constant 0 : index
    %get3A_27 = arith.constant 0 : index
    %get3A_28 = vector.load %arg4[%get3A_26, %get3A_27] : memref<128x128xf32, #tpu.memory_space<vmem>>, vector<128x128xf32>
    %dot_general3A_29 = arith.constant dense<0.000000e+00> : vector<1024x128xf32>
    %dot_general3A_30 = tpu.matmul %mul3A_18, %get3A_28, %dot_general3A_29 {dimension_numbers = #tpu.dot_dimension_numbers<[1], [0], [0], [1], [0, 0, 1, 1], [], []>, transpose_lhs_hint = false} : vector<1024x128xf32>, vector<128x128xf32>, vector<1024x128xf32> -> vector<1024x128xf32>
    %add3A_31 = arith.addf %dot_general3A_30, %dot_general3A_25 : vector<1024x128xf32>
    %get3A_32 = arith.constant 0 : index
    %get3A_33 = arith.constant 0 : index
    %get3A_34 = vector.load %arg5[%get3A_32, %get3A_33] : memref<1x128xf32, #tpu.memory_space<vmem>>, vector<1x128xf32>
    %add3A_35 = vector.broadcast %get3A_34 : vector<1x128xf32> to vector<1024x128xf32>
    %add3A_36 = arith.addf %add3A_31, %add3A_35 : vector<1024x128xf32>
    %max3A_37 = arith.constant 0.000000e+00 : f32
    %max3A_38 = vector.broadcast %max3A_37 : f32 to vector<1024x128xf32>
    %max3A_39 = arith.maximumf %add3A_36, %max3A_38 : vector<1024x128xf32>
    %swap3A = arith.constant 0 : index
    %swap3A_40 = arith.constant 0 : index
    %swap3A_41 = vector.load %arg9[%swap3A, %swap3A_40] : memref<1024x128xf32, #tpu.memory_space<vmem>>, vector<1024x128xf32>
    tpu.vector_store %arg9[%swap3A, %swap3A_40], %max3A_39 {strides = array<i32>} : memref<1024x128xf32, #tpu.memory_space<vmem>>, vector<1024x128xf32>,
    %get3A_42 = arith.constant 0 : index
    %get3A_43 = arith.constant 0 : index
    %get3A_44 = vector.load %arg7[%get3A_42, %get3A_43] : memref<128x64xf32, #tpu.memory_space<vmem>>, vector<128x64xf32>
    %dot_general3A_45 = arith.constant dense<0.000000e+00> : vector<1024x64xf32>
    %dot_general3A_46 = tpu.matmul %max3A_39, %get3A_44, %dot_general3A_45 {dimension_numbers = #tpu.dot_dimension_numbers<[1], [0], [0], [1], [0, 0, 1, 1], [], []>, transpose_lhs_hint = false} : vector<1024x128xf32>, vector<128x64xf32>, vector<1024x64xf32> -> vector<1024x64xf32>
    %get3A_47 = arith.constant 0 : index
    %get3A_48 = arith.constant 0 : index
    %get3A_49 = vector.load %arg8[%get3A_47, %get3A_48] : memref<1x64xf32, #tpu.memory_space<vmem>>, vector<1x64xf32>
    %add3A_50 = vector.broadcast %get3A_49 : vector<1x64xf32> to vector<1024x64xf32>
    %add3A_51 = arith.addf %dot_general3A_46, %add3A_50 : vector<1024x64xf32>
    %swap3A_52 = arith.constant 0 : index
    %swap3A_53 = arith.constant 0 : index
    %swap3A_54 = vector.load %arg10[%swap3A_52, %swap3A_53] : memref<1024x64xf32, #tpu.memory_space<vmem>>, vector<1024x64xf32>
    tpu.vector_store %arg10[%swap3A_52, %swap3A_53], %add3A_51 {strides = array<i32>} : memref<1024x64xf32, #tpu.memory_space<vmem>>, vector<1024x64xf32>,
    return
  }
  func.func @transform_0(%arg0: i32) -> (i32, i32, i32) {
    %c0_i32 = arith.constant 0 : i32
    %c0_i32_0 = arith.constant 0 : i32
    %c0_i32_1 = arith.constant 0 : i32
    return %c0_i32, %arg0, %c0_i32_0 : i32, i32, i32
  }
  func.func @transform_1(%arg0: i32) -> (i32, i32) {
    %c0_i32 = arith.constant 0 : i32
    %c0_i32_0 = arith.constant 0 : i32
    return %arg0, %c0_i32 : i32, i32
  }
  func.func @transform_2(%arg0: i32) -> (i32, i32) {
    %c0_i32 = arith.constant 0 : i32
    %c0_i32_0 = arith.constant 0 : i32
    return %arg0, %c0_i32 : i32, i32
  }
  func.func @transform_3(%arg0: i32) -> (i32, i32) {
    %c0_i32 = arith.constant 0 : i32
    %c0_i32_0 = arith.constant 0 : i32
    %c0_i32_1 = arith.constant 0 : i32
    return %c0_i32, %c0_i32_0 : i32, i32
  }
  func.func @transform_4(%arg0: i32) -> (i32, i32) {
    %c0_i32 = arith.constant 0 : i32
    %c0_i32_0 = arith.constant 0 : i32
    %c0_i32_1 = arith.constant 0 : i32
    return %c0_i32, %c0_i32_0 : i32, i32
  }
  func.func @transform_5(%arg0: i32) -> (i32, i32) {
    %c0_i32 = arith.constant 0 : i32
    %c0_i32_0 = arith.constant 0 : i32
    %c0_i32_1 = arith.constant 0 : i32
    return %c0_i32, %c0_i32_0 : i32, i32
  }
  func.func @transform_6(%arg0: i32) -> (i32, i32) {
    %c0_i32 = arith.constant 0 : i32
    %c0_i32_0 = arith.constant 0 : i32
    %c0_i32_1 = arith.constant 0 : i32
    return %c0_i32, %c0_i32_0 : i32, i32
  }
  func.func @transform_7(%arg0: i32) -> (i32, i32) {
    %c0_i32 = arith.constant 0 : i32
    %c0_i32_0 = arith.constant 0 : i32
    %c0_i32_1 = arith.constant 0 : i32
    return %c0_i32, %c0_i32_0 : i32, i32
  }
  func.func @transform_8(%arg0: i32) -> (i32, i32) {
    %c0_i32 = arith.constant 0 : i32
    %c0_i32_0 = arith.constant 0 : i32
    return %arg0, %c0_i32 : i32, i32
  }
  func.func @transform_9(%arg0: i32) -> (i32, i32) {
    %c0_i32 = arith.constant 0 : i32
    %c0_i32_0 = arith.constant 0 : i32
    return %arg0, %c0_i32 : i32, i32
  }
}

module attributes {stable_mosaic.version = 14 : i64} {
  func.func @_tc2_body(%arg0: i32, %arg1: memref<2x1024x128xf32, #tpu.memory_space<vmem>>, %arg2: memref<1024x2xf32, #tpu.memory_space<vmem>>, %arg3: memref<128x64xf32, #tpu.memory_space<vmem>>, %arg4: memref<1024x64xf32, #tpu.memory_space<vmem>>, %arg5: memref<1024x64xf32, #tpu.memory_space<vmem>>) attributes {dimension_semantics = [#tpu.dimension_semantics<arbitrary>], iteration_bounds = array<i64: 10>, scalar_prefetch = 0 : i64, scratch_operands = 0 : i64, tpu.core_type = #tpu.core_type<tc>, window_params = [{transform_indices = @transform_0, window_bounds = array<i64: 2, 1024, 128>}, {transform_indices = @transform_1, window_bounds = array<i64: 1024, 2>}, {pipeline_mode = #tpu.pipeline_mode<synchronous>, transform_indices = @transform_2, window_bounds = array<i64: 128, 64>}, {transform_indices = @transform_3, window_bounds = array<i64: 1024, 64>}, {transform_indices = @transform_4, window_bounds = array<i64: 1024, 64>}]} {
    %get3A = arith.constant 0 : index
    %get3A_0 = arith.constant 0 : index
    %get3A_1 = vector.load %arg2[%get3A, %get3A_0] : memref<1024x2xf32, #tpu.memory_space<vmem>>, vector<1024x2xf32>
    %slice3A = vector.extract_strided_slice %get3A_1 {offsets = [0, 0], sizes = [1024, 1], strides = [1, 1]} : vector<1024x2xf32> to vector<1024x1xf32>
    %slice3A_2 = vector.extract_strided_slice %get3A_1 {offsets = [0, 1], sizes = [1024, 1], strides = [1, 1]} : vector<1024x2xf32> to vector<1024x1xf32>
    %add3A = arith.addf %slice3A, %slice3A_2 : vector<1024x1xf32>
    %max3A = arith.constant 1.000000e+00 : f32
    %max3A_3 = vector.broadcast %max3A : f32 to vector<1024x1xf32>
    %max3A_4 = arith.maximumf %add3A, %max3A_3 : vector<1024x1xf32>
    %get3A_5 = arith.constant 0 : index
    %get3A_6 = arith.constant 0 : index
    %get3A_7 = arith.constant 0 : index
    %get3A_8 = vector.load %arg1[%get3A_5, %get3A_6, %get3A_7] : memref<2x1024x128xf32, #tpu.memory_space<vmem>>, vector<1x1024x128xf32>
    %get3A_9 = vector.shape_cast %get3A_8 : vector<1x1024x128xf32> to vector<1024x128xf32>
    %get3A_10 = arith.constant 1 : index
    %get3A_11 = arith.constant 0 : index
    %get3A_12 = arith.constant 0 : index
    %get3A_13 = vector.load %arg1[%get3A_10, %get3A_11, %get3A_12] : memref<2x1024x128xf32, #tpu.memory_space<vmem>>, vector<1x1024x128xf32>
    %get3A_14 = vector.shape_cast %get3A_13 : vector<1x1024x128xf32> to vector<1024x128xf32>
    %add3A_15 = arith.addf %get3A_9, %get3A_14 : vector<1024x128xf32>
    %div3A = arith.constant 1.000000e+00 : f32
    %div3A_16 = vector.broadcast %div3A : f32 to vector<1024x1xf32>
    %div3A_17 = arith.divf %div3A_16, %max3A_4 : vector<1024x1xf32>
    %mul3A = vector.broadcast %div3A_17 : vector<1024x1xf32> to vector<1024x128xf32>
    %mul3A_18 = arith.mulf %add3A_15, %mul3A : vector<1024x128xf32>
    %get3A_19 = arith.constant 0 : index
    %get3A_20 = arith.constant 0 : index
    %get3A_21 = vector.load %arg3[%get3A_19, %get3A_20] : memref<128x64xf32, #tpu.memory_space<vmem>>, vector<128x64xf32>
    %dot_general3A = arith.constant dense<0.000000e+00> : vector<1024x64xf32>
    %dot_general3A_22 = tpu.matmul %mul3A_18, %get3A_21, %dot_general3A {dimension_numbers = #tpu.dot_dimension_numbers<[1], [0], [0], [1], [0, 0, 1, 1], [], []>, transpose_lhs_hint = false} : vector<1024x128xf32>, vector<128x64xf32>, vector<1024x64xf32> -> vector<1024x64xf32>
    %get3A_23 = arith.constant 0 : index
    %get3A_24 = arith.constant 0 : index
    %get3A_25 = vector.load %arg4[%get3A_23, %get3A_24] : memref<1024x64xf32, #tpu.memory_space<vmem>>, vector<1024x64xf32>
    %add3A_26 = arith.addf %dot_general3A_22, %get3A_25 : vector<1024x64xf32>
    %swap3A = arith.constant 0 : index
    %swap3A_27 = arith.constant 0 : index
    %swap3A_28 = vector.load %arg5[%swap3A, %swap3A_27] : memref<1024x64xf32, #tpu.memory_space<vmem>>, vector<1024x64xf32>
    tpu.vector_store %arg5[%swap3A, %swap3A_27], %add3A_26 {strides = array<i32>} : memref<1024x64xf32, #tpu.memory_space<vmem>>, vector<1024x64xf32>,
    return
  }
  func.func @transform_0(%arg0: i32) -> (i32, i32, i32) {
    %c0_i32 = arith.constant 0 : i32
    %c0_i32_0 = arith.constant 0 : i32
    %c0_i32_1 = arith.constant 0 : i32
    return %c0_i32, %arg0, %c0_i32_0 : i32, i32, i32
  }
  func.func @transform_1(%arg0: i32) -> (i32, i32) {
    %c0_i32 = arith.constant 0 : i32
    %c0_i32_0 = arith.constant 0 : i32
    return %arg0, %c0_i32 : i32, i32
  }
  func.func @transform_2(%arg0: i32) -> (i32, i32) {
    %c0_i32 = arith.constant 0 : i32
    %c0_i32_0 = arith.constant 0 : i32
    %c0_i32_1 = arith.constant 0 : i32
    return %c0_i32, %c0_i32_0 : i32, i32
  }
  func.func @transform_3(%arg0: i32) -> (i32, i32) {
    %c0_i32 = arith.constant 0 : i32
    %c0_i32_0 = arith.constant 0 : i32
    return %arg0, %c0_i32 : i32, i32
  }
  func.func @transform_4(%arg0: i32) -> (i32, i32) {
    %c0_i32 = arith.constant 0 : i32
    %c0_i32_0 = arith.constant 0 : i32
    return %arg0, %c0_i32 : i32, i32
  }
}

</mosaic_0001>

<sc_bundles>
// kernel: kernel.6.cloned.1.call-start
scs
__scs_entry_jumppad:
0x0: {  	(pc) =	sbr.rel $0x88, $3  }
0x1: {  	(tag) =	ssettag $0x0;
	lr =	simm.s32 $0x1  }
0x2: {  	[smem:$0x3F99] =	sst lr;
	_ =	strace $0xD0000000  }
0x3: {  	_ = 	snop  }
0x4: {  	_ = 	snop  }
0x5: {  	_ = 	snop  }
0x6: {  	_ = 	snop  }
0x7: {  	_ = 	snop  }
__scs_overlays_trampoline_lowered:
0x8: {  	[smem:$0x3FA8] =	sst s0  }
0x9: {  	[smem:$0x3FA9] =	sst s1  }
0xa: {  	[smem:$0x3FAA] =	sst s2  }
0xb: {  	[smem:$0x3FAB] =	sst s3  }
0xc: {  	[smem:$0x3FAC] =	sst s4  }
0xd: {  	[smem:$0x3FAD] =	sst s5  }
0xe: {  	[smem:$0x3FAE] =	sst s6  }
0xf: {  	[smem:$0x3FAF] =	sst s7  }
0x10: {  	[smem:$0x3FB0] =	sst s8  }
0x11: {  	[smem:$0x3FB1] =	sst s9;
	s0 =	simm.s32 @!p0 $0x0  }
0x12: {  	s1 =	sld [smem:$0x3F97];
	s0 =	simm.s32 @p0 $0x1  }
0x13: {  	[smem:$0x3FB2] =	sst s0;
	s0 =	simm.s32 @!p1 $0x0  }
0x14: {  	s2 =	sld [smem:$0x3F96];
	s0 =	simm.s32 @p1 $0x1  }
0x15: {  	[smem:$0x3FB3] =	sst s0;
	s0 =	simm.s32 @!p2 $0x0  }
0x16: {  	s3 =	sld [smem:$0x3FDB];
	s0 =	simm.s32 @p2 $0x1  }
0x17: {  	s4 =	simm.s32 $0x1BF5;
	[smem:$0x3FB5] =	sst s0  }
0x18: {  	s0 =	sld [smem:$0x3F98];
	_ =	swait.ge [sflag:s4], $0x0  }
0x19: {  	s7 =	sld [smem:$0x3F99]  }
0x1a: {  	s8 =	sadd.s32 $0xFFFFE003, lr  }
0x1b: {  	s9 =	sadd.s32 $0xFFFFFEF7, lr;
	s5 =	simm.s32 $0xFFFFFFFF;
	p2 =	slt.u32 s8, $0xFFFFF086  }
0x1c: {  	p1 =	slt.u32 s9, $0xF7A;
	s5 =	simm.s32 @!p2 $0x0  }
0x1d: {  	s5 =	simm.s32 @p1 $0x1;
	p0 =	seq.s32 s7, s2  }
0x1e: {  	s7 =	smul.u32 @!p0 $0xF7A, s2;
	p2 =	seq.s32 @!p0 s5, $0x0  }
0x1f: {  	s9 =	smul.u32 $0xF7A, s1;
	s8 =	simm.s32 @!p0 $0x1BF5;
	p2 =	por !p2, p0  }
0x20: {  	[sflag:s8] =	ssyncset.s32 @!p0 $0xFFFFF086;
	s6 =	sadd.s32 @!p0 s3, s7;
	s7 =	simm.s32 @!p0 $0x108  }
0x21: {  	s3 =	sadd.s32 s3, s9;
	s6 =	sadd.s32 @!p0 $0x88, s6;
	s7 =	simm.s32 @p2 $0x1082  }
0x22: {  	[simem:s7], [sflag:s8] =	dma.local @!p0 [hbm:s6], $0xF7A  }
0x23: {  	s9 =	sor.u32 $0xD0000000, s2;
	s6 =	simm.s32 $0x108;
	_ =	swait.ge @!p0 [sflag:s8], $0x0  }
0x24: {  	s3 =	sadd.s32 $0x88, s3;
	s6 =	simm.s32 @!p1 $0x1082;
	[sflag:s4] =	ssyncset.s32 $0xFFFFF086  }
0x25: {  	[simem:s6], [sflag:s4] =	dma.local [hbm:s3], $0xF7A  }
0x26: {  	[smem:$0x3F99] =	sst s1;
	(tag) =	ssettag s2;
	_ =	strace s9  }
0x27: {  	s1 =	sld [smem:$0x3FA9]  }
0x28: {  	s2 =	sld [smem:$0x3FAA]  }
0x29: {  	s4 =	sld [smem:$0x3FAC]  }
0x2a: {  	p0 =	seq.s32 s5, $0x0;
	s5 =	sld [smem:$0x3FAD]  }
0x2b: {  	s6 =	sld [smem:$0x3FAE]  }
0x2c: {  	s7 =	sld [smem:$0x3FAF]  }
0x2d: {  	s3 =	simm.s32 $0x108;
	s8 =	sld [smem:$0x3FB0]  }
0x2e: {  	s3 =	simm.s32 @!p0 $0x1082;
	s9 =	sld [smem:$0x3FB1]  }
0x2f: {  	lr =	sadd.s32 s0, s3;
	s0 =	sld [smem:$0x3FA8]  }
0x30: {  	s3 =	sld [smem:$0x3FAB]  }
0x31: {  	[smem:$0x3FB4] =	sst s10  }
0x32: {  	s10 =	sld [smem:$0x3FB2];
	_ =	sdelay $0x3  }
0x33: {  	p0 =	seq.s32 s10, $0x1;
	s10 =	sld [smem:$0x3FB4];
	_ =	sdelay $0x3  }
0x34: {  	[smem:$0x3FB4] =	sst s10  }
0x35: {  	s10 =	sld [smem:$0x3FB3];
	_ =	sdelay $0x3  }
0x36: {  	p1 =	seq.s32 s10, $0x1;
	s10 =	sld [smem:$0x3FB4];
	_ =	sdelay $0x3  }
0x37: {  	[smem:$0x3FB4] =	sst s10  }
0x38: {  	s10 =	sld [smem:$0x3FB5]  }
0x39: {  	_ = 	snop;
	(pc) =	sbr.ind lr, $3  }
0x3a: {  	_ = 	snop  }
0x3b: {  	_ = 	snop  }
0x3c: {  	p2 =	seq.s32 s10, $0x1;
	s10 =	sld [smem:$0x3FB4]  }
0x3d: {  	_ =	shalt  }
0x3e: {  	_ =	shalt  }
0x3f: {  	_ =	shalt  }
0x40: {  	_ =	shalt  }
0x41: {  	_ =	shalt  }
0x42: {  	_ =	shalt  }
0x43: {  	_ =	shalt  }
0x44: {  	_ =	shalt  }
0x45: {  	_ =	shalt  }
0x46: {  	_ =	shalt  }
0x47: {  	_ =	shalt  }
0x48: {  	_ =	shalt  }
0x49: {  	_ =	shalt  }
0x4a: {  	_ =	shalt  }
0x4b: {  	_ =	shalt  }
0x4c: {  	_ =	shalt  }
0x4d: {  	_ =	shalt  }
0x4e: {  	_ =	shalt  }
0x4f: {  	_ =	shalt  }
0x50: {  	_ =	shalt  }
0x51: {  	_ =	shalt  }
0x52: {  	_ =	shalt  }
0x53: {  	_ =	shalt  }
0x54: {  	_ =	shalt  }
0x55: {  	_ =	shalt  }
0x56: {  	_ =	shalt  }
0x57: {  	_ =	shalt  }
0x58: {  	_ =	shalt  }
0x59: {  	_ =	shalt  }
0x5a: {  	_ =	shalt  }
0x5b: {  	_ =	shalt  }
0x5c: {  	_ =	shalt  }
0x5d: {  	_ =	shalt  }
0x5e: {  	_ =	shalt  }
0x5f: {  	_ =	shalt  }
0x60: {  	_ =	shalt  }
0x61: {  	_ =	shalt  }
0x62: {  	_ =	shalt  }
0x63: {  	_ =	shalt  }
0x64: {  	_ =	shalt  }
0x65: {  	_ =	shalt  }
0x66: {  	_ =	shalt  }
0x67: {  	_ =	shalt  }
0x68: {  	_ =	shalt  }
0x69: {  	_ =	shalt  }
0x6a: {  	_ =	shalt  }
0x6b: {  	_ =	shalt  }
0x6c: {  	_ =	shalt  }
0x6d: {  	_ =	shalt  }
0x6e: {  	_ =	shalt  }
0x6f: {  	_ =	shalt  }
0x70: {  	_ =	shalt  }
0x71: {  	_ =	shalt  }
0x72: {  	_ =	shalt  }
0x73: {  	_ =	shalt  }
0x74: {  	_ =	shalt  }
0x75: {  	_ =	shalt  }
0x76: {  	_ =	shalt  }
0x77: {  	_ =	shalt  }
0x78: {  	_ =	shalt  }
0x79: {  	_ =	shalt  }
0x7a: {  	_ =	shalt  }
0x7b: {  	_ =	shalt  }
0x7c: {  	_ =	shalt  }
0x7d: {  	_ =	shalt  }
0x7e: {  	_ =	shalt  }
0x7f: {  	_ =	shalt  }
0x80: {  	_ =	shalt  }
0x81: {  	_ =	shalt  }
0x82: {  	_ =	shalt  }
0x83: {  	_ =	shalt  }
0x84: {  	_ =	shalt  }
0x85: {  	_ =	shalt  }
0x86: {  	_ =	shalt  }
0x87: {  	_ =	shalt  }
.Lfunc_end0:
.L_simem_size_0:
called_computation_lowered:
.L_overlay_start_0:
0x88: {  	s2 =	sld [smem:$0x3FD9]  }
0x89: {  	s3 =	sld [smem:$0x3FFE];
	_ =	sdelay $0x1  }
0x8a: {  	s1 =	srdreg.scid  }
0x8b: {  	s0 =	sand.u32 $0x1, s1  }
0x8c: {  	s17 =	sshll.u32 s0, $0xA;
	s2 =	sadd.s32 s3, s2  }
0x8d: {  	s2 =	sadd.s32 s2, s17  }
0x8e: {  	[smem:$0x3FC0] =	sst s2  }
0x8f: {  	_ = 	snop  }
0x90: {  	s2 =	sld [smem:$0x3FD0];
	(tm) =	ssettm $0x1  }
0x91: {  	s18 =	sld [smem:$0x3FFB];
	_ =	sdelay $0x3  }
0x92: {  	_ =	strace s18  }
0x93: {  	s3 =	sld [smem:$0x3FFC];
	_ =	sdelay $0x3  }
0x94: {  	_ =	strace s3  }
0x95: {  	s3 =	sld [smem:$0x3FFD];
	_ =	sdelay $0x3  }
0x96: {  	_ =	strace s3  }
0x97: {  	_ =	strace $0x8FFFFFFF  }
0x98: {  	s19 =	sld [smem:$0x3FDB];
	_ =	sdelay $0x1  }
0x99: {  	s4 =	simm.s32 $_scs_section_size  }
0x9a: {  	s5 =	simm.s32 $_size__tile_overlayer_lowered;
	s6 =	simm.s32 $_tile_overlayer_lowered  }
0x9b: {  	s22 =	simm.s32 $0x1BFF;
	s21 =	sshll.u32 s6, $0x1;
	s3 =	sadd.s32 s4, s19  }
0x9c: {  	s7 =	simm.s32 $0x0;
	s20 =	sshll.u32 s5, $0x1;
	s5 =	sadd.s32 s21, s3  }
0x9d: {  	[timem:s7], [sflag:s22] =	dma.local [hbm:s5], s20  }
0x9e: {  	_ =	swait.ge [sflag:s22], s20  }
0x9f: {  	s4 =	ssub.s32 $0x0, s20;
	[sflag:s22] =	ssyncset.done $0x0  }
0xa0: {  	[sflag:s22] =	ssyncadd.s32 s4;
	_ =	sdelay $0x1  }
0xa1: {  	s23 =	simm.s32 $0x1B8B  }
0xa2: {  	_ =	swait.ge [sflag:s23], $0x1  }
0xa3: {  	[sflag:s23] =	ssyncset.done $0x0  }
0xa4: {  	s25 =	simm.s32 $0x1B8E;
	s24 =	sld [smem:$0x3FFE];
	[sflag:s23] =	ssyncadd.s32 $0xFFFFFFFF  }
0xa5: {  	s26 =	simm.s32 $execute0_lowered;
	[smem:$0x3FD2] =	sst s25  }
0xa6: {  	s5 =	sshll.u32 s26, $0x1;
	_ =	strace $0x80000046;
	[dreg:$0x1] =	wrdreg $0xFFFFFFFF  }
0xa7: {  	s28 =	simm.s32 $_size_execute0_lowered;
	s3 =	sadd.s32 s3, s5;
	[dreg:$0x0] =	wrdreg $0x0  }
0xa8: {  	s5 =	sshll.u32 s28, $0x1;
	[dreg:$0x2] =	wrdreg s3  }
0xa9: {  	[dreg:$0x3] =	wrdreg s5  }
0xaa: {  	[dreg:$0x4] =	wrdreg $0xC0  }
0xab: {  	_ =	task [dreg:s7], $0x5FFFF  }
0xac: {  	[dreg:$0x1] =	wrdreg $0xFFFFFFFF  }
0xad: {  	[dreg:$0x0] =	wrdreg $0x60  }
0xae: {  	[dreg:$0x2] =	wrdreg s24  }
0xaf: {  	[dreg:$0x3] =	wrdreg s2  }
0xb0: {  	[dreg:$0x4] =	wrdreg $0x90000  }
0xb1: {  	[dreg:$0x5] =	wrdreg $0x1D0800  }
0xb2: {  	[dreg:$0x6] =	wrdreg $0x9  }
0xb3: {  	_ =	task.clear_ibuf [dreg:s7], $0x7FFFF;
	_ =	strace $0x90000046  }
0xb4: {  	s29 =	simm.s32 $0x9;
	_ =	strace $0x80000048  }
0xb5: {  	_ =	swait.ge [sflag:s29], $0x1  }
0xb6: {  	[sflag:s29] =	ssyncadd.s32 $0xFFFFFFFF  }
0xb7: {  	_ =	strace $0x90000048  }
0xb8: {  	_ =	sfence  }
0xb9: {  	s30 =	sld [smem:$0x0];
	_ =	sdelay $0x2  }
0xba: {  	s31 =	sshll.u32 s1, $0xD;
	s1 =	sshrl.u32 s1, $0x2  }
0xbb: {  	s3 =	sand.u32 $0x4000, s31;
	s1 =	sadd.s32 s1, s30  }
0xbc: {  	s0 =	sor.u32 s3, s0;
	s1 =	sshll.u32 s1, $0x11  }
0xbd: {  	s0 =	sor.u32 s1, s0  }
0xbe: {  	s0 =	sadd.s32 $0x8F2B, s0  }
0xbf: {  	[sflag:s0] =	ssyncadd.remote.s32 $0x1  }
0xc0: {  	_ =	sfence.sel $0xFFFF  }
0xc1: {  	[dreg:$0x0] =	wrdreg $0xFFFFFFFF;
	(pc) =	sbr.abs _section_cstart, $3  }
0xc2: {  	[dreg:$0x1] =	wrdreg $0xFFFFFFFF  }
0xc3: {  	_ =	task.clear_ibuf [dreg:s7], $0x2FFFF;
	_ =	strace $0x9FFFFFFF  }
0xc4: {  	(tm) =	ssettm $0x7FFFFFFF  }
0xc5: {  	_ =	shalt  }
tec
execute0_lowered:
.L_overlay_start_1:
0x0: {  	(tag) =	ssettag $0x1  }
0x1: {  	s7 =	rddreg [dreg:$0x0]  }
0x2: {  	s8 =	rddreg [dreg:$0x1];
	s1 =	srdreg.scid  }
0x3: {  	s0 =	stileid.u32;
	s2 =	rddreg [dreg:$0x2]  }
0x4: {  	s3 =	rddreg [dreg:$0x3];
	s4 =	simm.s32 $0x0;
	s20 =	simm.s32 $0x80  }
0x5: {  	s21 =	simm.s32 $0x5000;
	s22 =	simm.s32 $0x1;
	s23 =	simm.s32 $0x20  }
0x6: {  	s24 =	simm.s32 $0x10;
	s25 =	simm.s32 $0x0;
	s6 =	smul.u32 $0x14000, s0  }
0x7: {  	s9 =	sand.u32 $0x1, s1;
	s1 =	rddreg [dreg:$0x4];
	s11 =	smul.u32 $0x280, s0  }
0x8: {  	s26 =	sshll.u32 s0, $0x1;
	[smem:$0x7FF] =	sst s4;
	s16 =	smul.u32 $0x500, s0  }
0x9: {  	s28 =	smul.u32 $0x50000, s0;
	s31 =	sshll.u32 s0, $0x6;
	s5 =	sor.u32 s9, s26  }
0xa: {  	_ =	strace $0x80000047;
	s14 =	smul.u32 $0x140000, s9;
	s17 =	sshll.u32 s9, $0x7  }
0xb: {  	s9 =	ssub.s32 $0x2, s9;
	s10 =	smul.u32 $0x500, s5;
	s5 =	sadd.s32 $0xC600, s7  }
0xc: {  	s13 =	sshrl.u32 s6, $0x3;
	s15 =	sshrl.u32 s11, $0x3;
	s16 =	sor.u32 s17, s16  }
0xd: {  	s29 =	sshrl.u32 s9, $0x1;
	s30 =	sshrl.u32 s28, $0x2;
	s19 =	sadd.s32 s11, s3  }
0xe: {  	s13 =	sadd.s32 s13, s7;
	s15 =	sadd.s32 s15, s7;
	s14 =	sadd.s32 s6, s14  }
0xf: {  	s6 =	sadd.s32 $0x5CC00, s7;
	s16 =	sshrl.u32 s16, $0x3;
	s18 =	ssub.s32 s9, s29  }
0x10: {  	s17 =	sadd.s32 s30, s2;
	s19 =	sshrl.u32 s19, $0x3;
	s12 =	sadd.s32 s10, s7  }
0x11: {  	s14 =	sshrl.u32 s14, $0x3;
	s16 =	sadd.s32 s16, s7;
	s9 =	sadd.s32 $0x34600, s13  }
0x12: {  	s13 =	smax.u32 s18, $0x1;
	s17 =	sshrl.u32 s17, $0x3;
	s18 =	simm.s32 $0x1D000  }
0x13: {  	s14 =	sadd.s32 s14, s7;
	s7 =	sadd.s32 s8, s10;
	s8 =	sadd.s32 $0x2600, s12  }
0x14: {  	s10 =	sadd.s32 $0x5C600, s15;
	s12 =	sadd.s32 $0x5CE00, s16;
	s15 =	simm.s32 $0x2800  }
0x15: {  	s16 =	sor.u32 $0x1C02, s31;
	s11 =	sadd.s32 $0x5D800, s14;
	s14 =	simm.s32 $0x2  }
.LBB2_1:
0x16: {  	[tilespmem:s4], [sflag:$0x2] =	stream.linear.gather [hbm4b:s7+s4], $0x2780, $0x38;
	[tilespmem:$0x1D300] =	vst v63  }
0x17: {  	_ =	swait.ge [sflag:s14], $0x2780  }
0x18: {  	[sflag:s14] =	ssyncset.done $0x0  }
0x19: {  	[sflag:s14] =	ssyncadd.s32 $0xFFFFD880  }
0x1a: {  	[tilespmem:s15], [sflag:$0x2] =	stream.linear.gather [hbm4b:s8+s4], $0x2780, $0x38;
	[tilespmem:$0x1D300] =	vst v63  }
0x1b: {  	_ =	swait.ge [sflag:s14], $0x2780  }
0x1c: {  	[sflag:s14] =	ssyncset.done $0x0  }
0x1d: {  	[sflag:s14] =	ssyncadd.s32 $0xFFFFD880  }
0x1e: {  	[spmem:s17], [sflag:s16] =	dma.local [hbm:s9], $0x2800  }
0x1f: {  	_ =	swait.ge [sflag:s14], $0x2800  }
0x20: {  	[sflag:s14] =	ssyncset.done $0x0  }
0x21: {  	[sflag:s14] =	ssyncadd.s32 $0xFFFFD800  }
0x22: {  	[tilespmem:s18], [sflag:$0x2] =	stream.linear.gather [hbm4b:s6+s4], $0x80, $0x38;
	[tilespmem:$0x1D300] =	vst v63  }
0x23: {  	_ =	swait.ge [sflag:s14], $0x80  }
0x24: {  	[sflag:s14] =	ssyncset.done $0x0  }
0x25: {  	[sflag:s14] =	ssyncadd.s32 $0xFFFFFF80  }
0x26: {  	[spmem:s19], [sflag:s16] =	dma.local [hbm:s10], $0x50  }
0x27: {  	_ =	swait.ge [sflag:s14], $0x50  }
0x28: {  	[sflag:s14] =	ssyncset.done $0x0  }
0x29: {  	[sflag:s14] =	ssyncadd.s32 $0xFFFFFFB0  }
0x2a: {  	s26 =	simm.s32 $0x0;
	[bflag:$0x0] =	sbarrier.arrive $0xFFFF  }
0x2b: {  	[tilespmem:s21], [sflag:$0x1] =	stream.indirect.gather [hbm4b:s5+s20], $0x80, s26, s20, $0xb8;
	[tilespmem:$0x1D300] =	vst v63  }
0x2c: {  	_ =	swait.ge [sflag:s22], $0x4000  }
0x2d: {  	[sflag:s22] =	ssyncset.done $0x0  }
0x2e: {  	s31 =	simm.s32 $0x2800;
	[sflag:s22] =	ssyncadd.s32 $0xFFFFC000  }
0x2f: {  	[spmem:s2] =	stream.indirect.scatter.add.f32 [tilespmem:s21], [sflag:$0x2], $0x80, s31, s20, $0xb8;
	[tilespmem:$0x1D300] =	vst v63  }
0x30: {  	_ =	swait.ge [sflag:s14], $0x4000  }
0x31: {  	[sflag:s14] =	ssyncset.done $0x0  }
0x32: {  	[sflag:s14] =	ssyncadd.s32 $0xFFFFC000  }
0x33: {  	[spmem:s3] =	stream.indirect.scatter.add.f32 [tilespmem:s18], [sflag:$0x2], $0x1, s31, s20, $0xb8;
	[tilespmem:$0x1D300] =	vst v63  }
0x34: {  	_ =	swait.ge [sflag:s14], $0x80  }
0x35: {  	s28 =	simm.s32 $0x400;
	s26 =	simm.s32 $0x200;
	[sflag:s14] =	ssyncset.done $0x0  }
.LBB2_2:
0x36: {  	s29 =	sshra.s32 s26, $0x2  }
0x37: {  	[sflag:s14] =	ssyncadd.s32 $0xFFFFFF80;
	s26 =	smov.u32 s28;
	s30 =	sadd.s32 $0x200, s28  }
0x38: {  	[tilespmem:s21], [sflag:$0x1] =	stream.indirect.gather [hbm4b:s5+s20], $0x80, s29, s20, $0xb8;
	[tilespmem:$0x1D300] =	vst v63  }
0x39: {  	p0 =	sne.s32 s28, $0x9C00;
	_ =	swait.ge [sflag:s22], $0x4000  }
0x3a: {  	[sflag:s22] =	ssyncset.done $0x0  }
0x3b: {  	s28 =	sadd.s32 $0x2800, s29;
	[sflag:s22] =	ssyncadd.s32 $0xFFFFC000  }
0x3c: {  	[spmem:s2] =	stream.indirect.scatter.add.f32 [tilespmem:s21], [sflag:$0x2], $0x80, s28, s20, $0xb8;
	[tilespmem:$0x1D300] =	vst v63  }
0x3d: {  	_ =	swait.ge [sflag:s14], $0x4000  }
.Ltmp0:
0x3e: {  	[sflag:s14] =	ssyncset.done $0x0;
	(pc) =	sbr.rel @p0 .LBB2_2-.Ltmp0, $4  }
0x3f: {  	[sflag:s14] =	ssyncadd.s32 $0xFFFFC000  }
0x40: {  	[spmem:s3] =	stream.indirect.scatter.add.f32 [tilespmem:s18], [sflag:$0x2], $0x1, s28, s20, $0xb8;
	[tilespmem:$0x1D300] =	vst v63  }
0x41: {  	_ =	swait.ge [sflag:s14], $0x80  }
0x42: {  	s28 =	smov.u32 s30;
	[sflag:s14] =	ssyncset.done $0x0  }
0x43: {  	s26 =	sshra.s32 s26, $0x2;
	[sflag:s14] =	ssyncadd.s32 $0xFFFFFF80  }
0x44: {  	[tilespmem:s21], [sflag:$0x1] =	stream.indirect.gather [hbm4b:s5+s20], $0x80, s26, s20, $0xb8;
	[tilespmem:$0x1D300] =	vst v63  }
0x45: {  	_ =	swait.ge [sflag:s22], $0x4000  }
0x46: {  	[sflag:s22] =	ssyncset.done $0x0  }
0x47: {  	s26 =	sadd.s32 $0x2800, s26;
	[sflag:s22] =	ssyncadd.s32 $0xFFFFC000  }
0x48: {  	[spmem:s2] =	stream.indirect.scatter.add.f32 [tilespmem:s21], [sflag:$0x2], $0x80, s26, s20, $0xb8;
	[tilespmem:$0x1D300] =	vst v63  }
0x49: {  	_ =	swait.ge [sflag:s14], $0x4000  }
0x4a: {  	[sflag:s14] =	ssyncset.done $0x0  }
0x4b: {  	[sflag:s14] =	ssyncadd.s32 $0xFFFFC000  }
0x4c: {  	[spmem:s3] =	stream.indirect.scatter.add.f32 [tilespmem:s18], [sflag:$0x2], $0x1, s26, s20, $0xb8;
	[tilespmem:$0x1D300] =	vst v63  }
0x4d: {  	_ =	swait.ge [sflag:s14], $0x80  }
0x4e: {  	[sflag:s14] =	ssyncset.done $0x0  }
0x4f: {  	[sflag:s14] =	ssyncadd.s32 $0xFFFFFF80  }
0x50: {  	[bflag:$0x0] =	sbarrier.arrive $0xFFFF  }
0x51: {  	[hbm:s11], [sflag:s16] =	dma.local [spmem:s17], $0x2800  }
0x52: {  	s25 =	sadd.s32 $0x1, s25;
	_ =	swait.ge [sflag:s14], $0x2800  }
0x53: {  	p0 =	sne.s32 s25, s13;
	[sflag:s14] =	ssyncset.done $0x0  }
.Ltmp1:
0x54: {  	[sflag:s14] =	ssyncadd.s32 $0xFFFFD800;
	(pc) =	sbr.rel @p0 .LBB2_1-.Ltmp1, $4  }
0x55: {  	[hbm:s12@s23], [sflag:s16] =	dma.strided [spmem:s19@s24], $0x50, s22, $0x10   }
0x56: {  	_ =	swait.ge [sflag:s14], $0x50  }
0x57: {  	[sflag:s14] =	ssyncset.done $0x0  }
0x58: {  	[sflag:s14] =	ssyncadd.s32 $0xFFFFFFB0  }
0x59: {  	_ =	sfence.sel $0x180000  }
0x5a: {  	[bflag:$0x0] =	sbarrier.arrive $0xFFFF  }
0x5b: {  	p0 =	sne.s32 s0, $0x0;
	_ =	strace $0x90000047  }
0x5c: {  	s0 =	sadd.s32 @!p0 $0x100000, s1;
	[bflag:$0x2] =	sbarrier.arrive $0xFFFF  }
0x5d: {  	[sflag:s0] =	ssyncadd.tile.s32 @!p0 $0x1;
	_ =	shalt  }
.Lfunc_end2:
_tile_overlayer_lowered:
.L_overlay_start_2:
0x5e: {  	(tag) =	ssettag $0x2  }
0x5f: {  	s0 =	rddreg [dreg:$0x0];
	s2 =	stileid.u32  }
0x60: {  	s1 =	rddreg [dreg:$0x1];
	p0 =	sne.s32 s2, $0x0  }
0x61: {  	s3 =	rddreg [dreg:$0x2];
	[bflag:$0x3] =	sbarrier.arrive $0xFFFF;
	s2 =	simm.s32 @!p0 $0x1C02  }
0x62: {  	[timem:s3], [sflag:s2] =	dma.local @!p0 [hbm:s0], s1  }
0x63: {  	s0 =	simm.s32 @!p0 $0x2  }
0x64: {  	_ =	swait.ge @!p0 [sflag:s0], s1  }
0x65: {  	s1 =	ssub.s32 @!p0 $0x0, s1;
	[sflag:s0] =	ssyncset.done @!p0 $0x0  }
0x66: {  	[sflag:s0] =	ssyncadd.s32 @!p0 s1  }
0x67: {  	[bflag:$0x3] =	sbarrier.arrive $0xFFFF  }
0x68: {  	_ =	shalt  }

// kernel: kernel.9.cloned.1.call-start
scs
__scs_entry_jumppad:
0x0: {  	(pc) =	sbr.rel $0x88, $3  }
0x1: {  	(tag) =	ssettag $0x0;
	lr =	simm.s32 $0x1  }
0x2: {  	[smem:$0x3F99] =	sst lr;
	_ =	strace $0xD0000000  }
0x3: {  	_ = 	snop  }
0x4: {  	_ = 	snop  }
0x5: {  	_ = 	snop  }
0x6: {  	_ = 	snop  }
0x7: {  	_ = 	snop  }
__scs_overlays_trampoline_lowered:
0x8: {  	[smem:$0x3FA8] =	sst s0  }
0x9: {  	[smem:$0x3FA9] =	sst s1  }
0xa: {  	[smem:$0x3FAA] =	sst s2  }
0xb: {  	[smem:$0x3FAB] =	sst s3  }
0xc: {  	[smem:$0x3FAC] =	sst s4  }
0xd: {  	[smem:$0x3FAD] =	sst s5  }
0xe: {  	[smem:$0x3FAE] =	sst s6  }
0xf: {  	[smem:$0x3FAF] =	sst s7  }
0x10: {  	[smem:$0x3FB0] =	sst s8  }
0x11: {  	[smem:$0x3FB1] =	sst s9;
	s0 =	simm.s32 @!p0 $0x0  }
0x12: {  	s1 =	sld [smem:$0x3F97];
	s0 =	simm.s32 @p0 $0x1  }
0x13: {  	[smem:$0x3FB2] =	sst s0;
	s0 =	simm.s32 @!p1 $0x0  }
0x14: {  	s2 =	sld [smem:$0x3F96];
	s0 =	simm.s32 @p1 $0x1  }
0x15: {  	[smem:$0x3FB3] =	sst s0;
	s0 =	simm.s32 @!p2 $0x0  }
0x16: {  	s3 =	sld [smem:$0x3FDB];
	s0 =	simm.s32 @p2 $0x1  }
0x17: {  	s4 =	simm.s32 $0x1BF5;
	[smem:$0x3FB5] =	sst s0  }
0x18: {  	s0 =	sld [smem:$0x3F98];
	_ =	swait.ge [sflag:s4], $0x0  }
0x19: {  	s7 =	sld [smem:$0x3F99]  }
0x1a: {  	s8 =	sadd.s32 $0xFFFFE003, lr  }
0x1b: {  	s9 =	sadd.s32 $0xFFFFFEF7, lr;
	s5 =	simm.s32 $0xFFFFFFFF;
	p2 =	slt.u32 s8, $0xFFFFF086  }
0x1c: {  	p1 =	slt.u32 s9, $0xF7A;
	s5 =	simm.s32 @!p2 $0x0  }
0x1d: {  	s5 =	simm.s32 @p1 $0x1;
	p0 =	seq.s32 s7, s2  }
0x1e: {  	s7 =	smul.u32 @!p0 $0xF7A, s2;
	p2 =	seq.s32 @!p0 s5, $0x0  }
0x1f: {  	s9 =	smul.u32 $0xF7A, s1;
	s8 =	simm.s32 @!p0 $0x1BF5;
	p2 =	por !p2, p0  }
0x20: {  	[sflag:s8] =	ssyncset.s32 @!p0 $0xFFFFF086;
	s6 =	sadd.s32 @!p0 s3, s7;
	s7 =	simm.s32 @!p0 $0x108  }
0x21: {  	s3 =	sadd.s32 s3, s9;
	s6 =	sadd.s32 @!p0 $0x88, s6;
	s7 =	simm.s32 @p2 $0x1082  }
0x22: {  	[simem:s7], [sflag:s8] =	dma.local @!p0 [hbm:s6], $0xF7A  }
0x23: {  	s9 =	sor.u32 $0xD0000000, s2;
	s6 =	simm.s32 $0x108;
	_ =	swait.ge @!p0 [sflag:s8], $0x0  }
0x24: {  	s3 =	sadd.s32 $0x88, s3;
	s6 =	simm.s32 @!p1 $0x1082;
	[sflag:s4] =	ssyncset.s32 $0xFFFFF086  }
0x25: {  	[simem:s6], [sflag:s4] =	dma.local [hbm:s3], $0xF7A  }
0x26: {  	[smem:$0x3F99] =	sst s1;
	(tag) =	ssettag s2;
	_ =	strace s9  }
0x27: {  	s1 =	sld [smem:$0x3FA9]  }
0x28: {  	s2 =	sld [smem:$0x3FAA]  }
0x29: {  	s4 =	sld [smem:$0x3FAC]  }
0x2a: {  	p0 =	seq.s32 s5, $0x0;
	s5 =	sld [smem:$0x3FAD]  }
0x2b: {  	s6 =	sld [smem:$0x3FAE]  }
0x2c: {  	s7 =	sld [smem:$0x3FAF]  }
0x2d: {  	s3 =	simm.s32 $0x108;
	s8 =	sld [smem:$0x3FB0]  }
0x2e: {  	s3 =	simm.s32 @!p0 $0x1082;
	s9 =	sld [smem:$0x3FB1]  }
0x2f: {  	lr =	sadd.s32 s0, s3;
	s0 =	sld [smem:$0x3FA8]  }
0x30: {  	s3 =	sld [smem:$0x3FAB]  }
0x31: {  	[smem:$0x3FB4] =	sst s10  }
0x32: {  	s10 =	sld [smem:$0x3FB2];
	_ =	sdelay $0x3  }
0x33: {  	p0 =	seq.s32 s10, $0x1;
	s10 =	sld [smem:$0x3FB4];
	_ =	sdelay $0x3  }
0x34: {  	[smem:$0x3FB4] =	sst s10  }
0x35: {  	s10 =	sld [smem:$0x3FB3];
	_ =	sdelay $0x3  }
0x36: {  	p1 =	seq.s32 s10, $0x1;
	s10 =	sld [smem:$0x3FB4];
	_ =	sdelay $0x3  }
0x37: {  	[smem:$0x3FB4] =	sst s10  }
0x38: {  	s10 =	sld [smem:$0x3FB5]  }
0x39: {  	_ = 	snop;
	(pc) =	sbr.ind lr, $3  }
0x3a: {  	_ = 	snop  }
0x3b: {  	_ = 	snop  }
0x3c: {  	p2 =	seq.s32 s10, $0x1;
	s10 =	sld [smem:$0x3FB4]  }
0x3d: {  	_ =	shalt  }
0x3e: {  	_ =	shalt  }
0x3f: {  	_ =	shalt  }
0x40: {  	_ =	shalt  }
0x41: {  	_ =	shalt  }
0x42: {  	_ =	shalt  }
0x43: {  	_ =	shalt  }
0x44: {  	_ =	shalt  }
0x45: {  	_ =	shalt  }
0x46: {  	_ =	shalt  }
0x47: {  	_ =	shalt  }
0x48: {  	_ =	shalt  }
0x49: {  	_ =	shalt  }
0x4a: {  	_ =	shalt  }
0x4b: {  	_ =	shalt  }
0x4c: {  	_ =	shalt  }
0x4d: {  	_ =	shalt  }
0x4e: {  	_ =	shalt  }
0x4f: {  	_ =	shalt  }
0x50: {  	_ =	shalt  }
0x51: {  	_ =	shalt  }
0x52: {  	_ =	shalt  }
0x53: {  	_ =	shalt  }
0x54: {  	_ =	shalt  }
0x55: {  	_ =	shalt  }
0x56: {  	_ =	shalt  }
0x57: {  	_ =	shalt  }
0x58: {  	_ =	shalt  }
0x59: {  	_ =	shalt  }
0x5a: {  	_ =	shalt  }
0x5b: {  	_ =	shalt  }
0x5c: {  	_ =	shalt  }
0x5d: {  	_ =	shalt  }
0x5e: {  	_ =	shalt  }
0x5f: {  	_ =	shalt  }
0x60: {  	_ =	shalt  }
0x61: {  	_ =	shalt  }
0x62: {  	_ =	shalt  }
0x63: {  	_ =	shalt  }
0x64: {  	_ =	shalt  }
0x65: {  	_ =	shalt  }
0x66: {  	_ =	shalt  }
0x67: {  	_ =	shalt  }
0x68: {  	_ =	shalt  }
0x69: {  	_ =	shalt  }
0x6a: {  	_ =	shalt  }
0x6b: {  	_ =	shalt  }
0x6c: {  	_ =	shalt  }
0x6d: {  	_ =	shalt  }
0x6e: {  	_ =	shalt  }
0x6f: {  	_ =	shalt  }
0x70: {  	_ =	shalt  }
0x71: {  	_ =	shalt  }
0x72: {  	_ =	shalt  }
0x73: {  	_ =	shalt  }
0x74: {  	_ =	shalt  }
0x75: {  	_ =	shalt  }
0x76: {  	_ =	shalt  }
0x77: {  	_ =	shalt  }
0x78: {  	_ =	shalt  }
0x79: {  	_ =	shalt  }
0x7a: {  	_ =	shalt  }
0x7b: {  	_ =	shalt  }
0x7c: {  	_ =	shalt  }
0x7d: {  	_ =	shalt  }
0x7e: {  	_ =	shalt  }
0x7f: {  	_ =	shalt  }
0x80: {  	_ =	shalt  }
0x81: {  	_ =	shalt  }
0x82: {  	_ =	shalt  }
0x83: {  	_ =	shalt  }
0x84: {  	_ =	shalt  }
0x85: {  	_ =	shalt  }
0x86: {  	_ =	shalt  }
0x87: {  	_ =	shalt  }
.Lfunc_end0:
.L_simem_size_0:
called_computation.1_lowered:
.L_overlay_start_0:
0x88: {  	s2 =	sld [smem:$0x3FD9]  }
0x89: {  	s3 =	sld [smem:$0x3FFE];
	_ =	sdelay $0x1  }
0x8a: {  	s1 =	srdreg.scid  }
0x8b: {  	s0 =	sand.u32 $0x1, s1  }
0x8c: {  	s17 =	sshll.u32 s0, $0xA;
	s2 =	sadd.s32 s3, s2  }
0x8d: {  	s2 =	sadd.s32 s2, s17  }
0x8e: {  	[smem:$0x3FC0] =	sst s2  }
0x8f: {  	_ = 	snop  }
0x90: {  	s2 =	sld [smem:$0x3FD0];
	(tm) =	ssettm $0x1  }
0x91: {  	s18 =	sld [smem:$0x3FFB];
	_ =	sdelay $0x3  }
0x92: {  	_ =	strace s18  }
0x93: {  	s3 =	sld [smem:$0x3FFC];
	_ =	sdelay $0x3  }
0x94: {  	_ =	strace s3  }
0x95: {  	s3 =	sld [smem:$0x3FFD];
	_ =	sdelay $0x3  }
0x96: {  	_ =	strace s3  }
0x97: {  	_ =	strace $0x8FFFFFFF  }
0x98: {  	s19 =	sld [smem:$0x3FDB];
	_ =	sdelay $0x1  }
0x99: {  	s4 =	simm.s32 $_scs_section_size  }
0x9a: {  	s5 =	simm.s32 $_size__tile_overlayer_lowered;
	s6 =	simm.s32 $_tile_overlayer_lowered  }
0x9b: {  	s22 =	simm.s32 $0x1BFF;
	s21 =	sshll.u32 s6, $0x1;
	s3 =	sadd.s32 s4, s19  }
0x9c: {  	s7 =	simm.s32 $0x0;
	s20 =	sshll.u32 s5, $0x1;
	s5 =	sadd.s32 s21, s3  }
0x9d: {  	[timem:s7], [sflag:s22] =	dma.local [hbm:s5], s20  }
0x9e: {  	_ =	swait.ge [sflag:s22], s20  }
0x9f: {  	s4 =	ssub.s32 $0x0, s20;
	[sflag:s22] =	ssyncset.done $0x0  }
0xa0: {  	[sflag:s22] =	ssyncadd.s32 s4;
	_ =	sdelay $0x1  }
0xa1: {  	s23 =	simm.s32 $0x1B8B  }
0xa2: {  	_ =	swait.ge [sflag:s23], $0x1  }
0xa3: {  	[sflag:s23] =	ssyncset.done $0x0  }
0xa4: {  	s25 =	simm.s32 $0x1B8E;
	s24 =	sld [smem:$0x3FFE];
	[sflag:s23] =	ssyncadd.s32 $0xFFFFFFFF  }
0xa5: {  	s26 =	simm.s32 $execute0_lowered;
	[smem:$0x3FD2] =	sst s25  }
0xa6: {  	s5 =	sshll.u32 s26, $0x1;
	_ =	strace $0x80000049;
	[dreg:$0x1] =	wrdreg $0xFFFFFFFF  }
0xa7: {  	s28 =	simm.s32 $_size_execute0_lowered;
	s3 =	sadd.s32 s3, s5;
	[dreg:$0x0] =	wrdreg $0x0  }
0xa8: {  	s5 =	sshll.u32 s28, $0x1;
	[dreg:$0x2] =	wrdreg s3  }
0xa9: {  	[dreg:$0x3] =	wrdreg s5  }
0xaa: {  	[dreg:$0x4] =	wrdreg $0xC0  }
0xab: {  	_ =	task [dreg:s7], $0x5FFFF  }
0xac: {  	[dreg:$0x1] =	wrdreg $0xFFFFFFFF  }
0xad: {  	[dreg:$0x0] =	wrdreg $0x60  }
0xae: {  	[dreg:$0x2] =	wrdreg s24  }
0xaf: {  	[dreg:$0x3] =	wrdreg s2  }
0xb0: {  	[dreg:$0x4] =	wrdreg $0x90000  }
0xb1: {  	[dreg:$0x5] =	wrdreg $0x9  }
0xb2: {  	_ =	task.clear_ibuf [dreg:s7], $0x6FFFF;
	_ =	strace $0x90000049  }
0xb3: {  	s29 =	simm.s32 $0x9;
	_ =	strace $0x8000004B  }
0xb4: {  	_ =	swait.ge [sflag:s29], $0x1  }
0xb5: {  	[sflag:s29] =	ssyncadd.s32 $0xFFFFFFFF  }
0xb6: {  	_ =	strace $0x9000004B  }
0xb7: {  	_ =	sfence  }
0xb8: {  	s30 =	sld [smem:$0x0];
	_ =	sdelay $0x2  }
0xb9: {  	s31 =	sshll.u32 s1, $0xD;
	s1 =	sshrl.u32 s1, $0x2  }
0xba: {  	s3 =	sand.u32 $0x4000, s31;
	s1 =	sadd.s32 s1, s30  }
0xbb: {  	s0 =	sor.u32 s3, s0;
	s1 =	sshll.u32 s1, $0x11  }
0xbc: {  	s0 =	sor.u32 s1, s0  }
0xbd: {  	s0 =	sadd.s32 $0x8F2B, s0  }
0xbe: {  	[sflag:s0] =	ssyncadd.remote.s32 $0x1  }
0xbf: {  	_ =	sfence.sel $0xFFFF  }
0xc0: {  	[dreg:$0x0] =	wrdreg $0xFFFFFFFF;
	(pc) =	sbr.abs _section_cstart, $3  }
0xc1: {  	[dreg:$0x1] =	wrdreg $0xFFFFFFFF  }
0xc2: {  	_ =	task.clear_ibuf [dreg:s7], $0x2FFFF;
	_ =	strace $0x9FFFFFFF  }
0xc3: {  	(tm) =	ssettm $0x7FFFFFFF  }
tec
execute0_lowered:
.L_overlay_start_1:
0x0: {  	(tag) =	ssettag $0x1  }
0x1: {  	s5 =	rddreg [dreg:$0x0]  }
0x2: {  	s1 =	srdreg.scid;
	s6 =	rddreg [dreg:$0x1]  }
0x3: {  	s0 =	stileid.u32;
	s2 =	rddreg [dreg:$0x2];
	s3 =	simm.s32 $0x0  }
0x4: {  	s15 =	simm.s32 $0x5000;
	s16 =	simm.s32 $0x1;
	s17 =	simm.s32 $0x0  }
0x5: {  	s7 =	sand.u32 $0x1, s1;
	s1 =	rddreg [dreg:$0x3];
	s9 =	smul.u32 $0x14000, s0  }
0x6: {  	s28 =	sshll.u32 s0, $0x1;
	[smem:$0x7FF] =	sst s3;
	s29 =	smul.u32 $0x50000, s0  }
0x7: {  	s31 =	sshll.u32 s0, $0x6;
	s4 =	sor.u32 s7, s28;
	s10 =	smul.u32 $0x140000, s7  }
0x8: {  	_ =	strace $0x8000004A;
	s7 =	ssub.s32 $0x2, s7;
	s8 =	smul.u32 $0x500, s4  }
0x9: {  	s4 =	sadd.s32 $0xC600, s5;
	s12 =	sshrl.u32 s9, $0x3;
	s13 =	sshrl.u32 s7, $0x1  }
0xa: {  	s30 =	sshrl.u32 s29, $0x2;
	s9 =	sadd.s32 s9, s10;
	s12 =	sadd.s32 s12, s5  }
0xb: {  	s13 =	ssub.s32 s7, s13;
	s14 =	sadd.s32 s30, s2;
	s10 =	simm.s32 $0x2  }
0xc: {  	s11 =	sadd.s32 s8, s5;
	s9 =	sshrl.u32 s9, $0x3;
	s7 =	sadd.s32 $0x34600, s12  }
0xd: {  	s12 =	sor.u32 $0x1C02, s31;
	s9 =	sadd.s32 s9, s5;
	s5 =	sadd.s32 s6, s8  }
0xe: {  	s6 =	sadd.s32 $0x2600, s11;
	s11 =	simm.s32 $0x2800;
	s8 =	sadd.s32 $0x5C600, s9  }
0xf: {  	s9 =	smax.u32 s13, $0x1;
	s13 =	sshrl.u32 s14, $0x3;
	s14 =	simm.s32 $0x80  }
.LBB2_1:
0x10: {  	[tilespmem:s3], [sflag:$0x2] =	stream.linear.gather [hbm4b:s5+s3], $0x2780, $0x38;
	[tilespmem:$0x1D000] =	vst v63  }
0x11: {  	_ =	swait.ge [sflag:s10], $0x2780  }
0x12: {  	[sflag:s10] =	ssyncset.done $0x0  }
0x13: {  	[sflag:s10] =	ssyncadd.s32 $0xFFFFD880  }
0x14: {  	[tilespmem:s11], [sflag:$0x2] =	stream.linear.gather [hbm4b:s6+s3], $0x2780, $0x38;
	[tilespmem:$0x1D000] =	vst v63  }
0x15: {  	_ =	swait.ge [sflag:s10], $0x2780  }
0x16: {  	[sflag:s10] =	ssyncset.done $0x0  }
0x17: {  	[sflag:s10] =	ssyncadd.s32 $0xFFFFD880  }
0x18: {  	[spmem:s13], [sflag:s12] =	dma.local [hbm:s7], $0x2800  }
0x19: {  	_ =	swait.ge [sflag:s10], $0x2800  }
0x1a: {  	[sflag:s10] =	ssyncset.done $0x0  }
0x1b: {  	[sflag:s10] =	ssyncadd.s32 $0xFFFFD800  }
0x1c: {  	s18 =	simm.s32 $0x0;
	[bflag:$0x0] =	sbarrier.arrive $0xFFFF  }
0x1d: {  	[tilespmem:s15], [sflag:$0x1] =	stream.indirect.gather [hbm4b:s4+s14], $0x80, s18, s14, $0xb8;
	[tilespmem:$0x1D000] =	vst v63  }
0x1e: {  	_ =	swait.ge [sflag:s16], $0x4000  }
0x1f: {  	[sflag:s16] =	ssyncset.done $0x0  }
0x20: {  	s31 =	simm.s32 $0x2800;
	[sflag:s16] =	ssyncadd.s32 $0xFFFFC000  }
0x21: {  	[spmem:s2] =	stream.indirect.scatter.add.f32 [tilespmem:s15], [sflag:$0x2], $0x80, s31, s14, $0xb8;
	[tilespmem:$0x1D000] =	vst v63  }
0x22: {  	_ =	swait.ge [sflag:s10], $0x4000  }
0x23: {  	s19 =	simm.s32 $0x400;
	s18 =	simm.s32 $0x200;
	[sflag:s10] =	ssyncset.done $0x0  }
.LBB2_2:
0x24: {  	s20 =	sshra.s32 s18, $0x2  }
0x25: {  	[sflag:s10] =	ssyncadd.s32 $0xFFFFC000;
	s18 =	smov.u32 s19;
	s21 =	sadd.s32 $0x200, s19  }
0x26: {  	[tilespmem:s15], [sflag:$0x1] =	stream.indirect.gather [hbm4b:s4+s14], $0x80, s20, s14, $0xb8;
	[tilespmem:$0x1D000] =	vst v63  }
0x27: {  	p0 =	sne.s32 s19, $0x9C00;
	_ =	swait.ge [sflag:s16], $0x4000  }
.Ltmp0:
0x28: {  	[sflag:s16] =	ssyncset.done $0x0;
	(pc) =	sbr.rel @p0 .LBB2_2-.Ltmp0, $4  }
0x29: {  	s19 =	sadd.s32 $0x2800, s20;
	[sflag:s16] =	ssyncadd.s32 $0xFFFFC000  }
0x2a: {  	[spmem:s2] =	stream.indirect.scatter.add.f32 [tilespmem:s15], [sflag:$0x2], $0x80, s19, s14, $0xb8;
	[tilespmem:$0x1D000] =	vst v63  }
0x2b: {  	_ =	swait.ge [sflag:s10], $0x4000  }
0x2c: {  	s19 =	smov.u32 s21;
	[sflag:s10] =	ssyncset.done $0x0  }
0x2d: {  	s18 =	sshra.s32 s18, $0x2;
	[sflag:s10] =	ssyncadd.s32 $0xFFFFC000  }
0x2e: {  	[tilespmem:s15], [sflag:$0x1] =	stream.indirect.gather [hbm4b:s4+s14], $0x80, s18, s14, $0xb8;
	[tilespmem:$0x1D000] =	vst v63  }
0x2f: {  	_ =	swait.ge [sflag:s16], $0x4000  }
0x30: {  	[sflag:s16] =	ssyncset.done $0x0  }
0x31: {  	s18 =	sadd.s32 $0x2800, s18;
	[sflag:s16] =	ssyncadd.s32 $0xFFFFC000  }
0x32: {  	[spmem:s2] =	stream.indirect.scatter.add.f32 [tilespmem:s15], [sflag:$0x2], $0x80, s18, s14, $0xb8;
	[tilespmem:$0x1D000] =	vst v63  }
0x33: {  	_ =	swait.ge [sflag:s10], $0x4000  }
0x34: {  	s17 =	sadd.s32 $0x1, s17;
	[sflag:s10] =	ssyncset.done $0x0  }
0x35: {  	p0 =	sne.s32 s17, s9;
	[sflag:s10] =	ssyncadd.s32 $0xFFFFC000  }
.Ltmp1:
0x36: {  	[bflag:$0x0] =	sbarrier.arrive $0xFFFF;
	(pc) =	sbr.rel @p0 .LBB2_1-.Ltmp1, $4  }
0x37: {  	[hbm:s8], [sflag:s12] =	dma.local [spmem:s13], $0x2800  }
0x38: {  	_ =	swait.ge [sflag:s10], $0x2800  }
0x39: {  	[sflag:s10] =	ssyncset.done $0x0  }
0x3a: {  	[sflag:s10] =	ssyncadd.s32 $0xFFFFD800  }
0x3b: {  	_ =	sfence.sel $0x180000  }
0x3c: {  	[bflag:$0x0] =	sbarrier.arrive $0xFFFF  }
0x3d: {  	p0 =	sne.s32 s0, $0x0;
	_ =	strace $0x9000004A  }
0x3e: {  	s0 =	sadd.s32 @!p0 $0x100000, s1;
	[bflag:$0x2] =	sbarrier.arrive $0xFFFF  }
0x3f: {  	[sflag:s0] =	ssyncadd.tile.s32 @!p0 $0x1;
	_ =	shalt  }
.Lfunc_end2:
_tile_overlayer_lowered:
.L_overlay_start_2:
0x40: {  	(tag) =	ssettag $0x2  }
0x41: {  	s0 =	rddreg [dreg:$0x0];
	s2 =	stileid.u32  }
0x42: {  	s1 =	rddreg [dreg:$0x1];
	p0 =	sne.s32 s2, $0x0  }
0x43: {  	s3 =	rddreg [dreg:$0x2];
	[bflag:$0x3] =	sbarrier.arrive $0xFFFF;
	s2 =	simm.s32 @!p0 $0x1C02  }
0x44: {  	[timem:s3], [sflag:s2] =	dma.local @!p0 [hbm:s0], s1  }
0x45: {  	s0 =	simm.s32 @!p0 $0x2  }
0x46: {  	_ =	swait.ge @!p0 [sflag:s0], s1  }
0x47: {  	s1 =	ssub.s32 @!p0 $0x0, s1;
	[sflag:s0] =	ssyncset.done @!p0 $0x0  }
0x48: {  	[sflag:s0] =	ssyncadd.s32 @!p0 s1  }
0x49: {  	[bflag:$0x3] =	sbarrier.arrive $0xFFFF  }
0x4a: {  	_ =	shalt  }

</sc_bundles>
